<compile_context>
chip_gen: v7x
topology: tpu7x:2x2x1
jax: 0.10.2.dev20260603
libtpu: 0.0.44.dev20260713+nightly
codegen_flags: <defaults>
</compile_context>

<pallas_src>
import jax
import jax.numpy as jnp
from jax import lax
from jax.experimental import pallas as pl
from jax.experimental.pallas import tpu as pltpu
from jax.experimental.pallas import tpu_sc as plsc

B, N_ID, N_SYM, D = 4096, 200, 200, 64
PAD_IDX = 0
L = 16
NC, NS = 2, 16
NW = NC * NS
BPW = B // NW
TW = N_ID * D
OW = N_SYM * D
NB = 4
IW = N_SYM + L


def _body(table, pad, idx_hbm, mask_hbm, out,
          ibufs, mbufs, tbufs, obufs, sem_t, sem_w):
    wid = lax.axis_index("s") * NC + lax.axis_index("c")
    tbase = wid * BPW * TW
    obase = wid * BPW * OW
    ibase = wid * BPW * N_SYM

    for par in range(NB):
        pltpu.sync_copy(pad, tbufs[par].at[pl.ds(TW, D)])

    def fetch(b, par):
        pltpu.async_copy(table.at[pl.ds(tbase + b * TW, TW)],
                         tbufs[par].at[pl.ds(0, TW)], sem_t[par])
        pltpu.async_copy(idx_hbm.at[pl.ds(ibase + b * N_SYM, N_SYM)],
                         ibufs[par].at[pl.ds(0, N_SYM)], sem_t[par])
        pltpu.async_copy(mask_hbm.at[pl.ds(ibase + b * N_SYM, N_SYM)],
                         mbufs[par].at[pl.ds(0, N_SYM)], sem_t[par])

    def wait_fetch(par):
        pltpu.make_async_copy(table.at[pl.ds(0, TW)],
                              tbufs[par].at[pl.ds(0, TW)], sem_t[par]).wait()
        pltpu.make_async_copy(idx_hbm.at[pl.ds(0, N_SYM)],
                              ibufs[par].at[pl.ds(0, N_SYM)], sem_t[par]).wait()
        pltpu.make_async_copy(mask_hbm.at[pl.ds(0, N_SYM)],
                              mbufs[par].at[pl.ds(0, N_SYM)], sem_t[par]).wait()

    def put(b, par):
        pltpu.async_copy(obufs[par], out.at[pl.ds(obase + b * OW, OW)],
                         sem_w[par])

    def wait_put(par):
        pltpu.make_async_copy(obufs[par], out.at[pl.ds(0, OW)],
                              sem_w[par]).wait()

    def compute(par):
        ib, mb, tb, ob = ibufs[par], mbufs[par], tbufs[par], obufs[par]

        @plsc.parallel_loop(0, N_SYM, 1, unroll=8)
        def rowloop(s):
            idx_s = ib[pl.ds(s, L)][0]
            m_s = mb[pl.ds(s, L)][0]
            r = jnp.where(m_s != 0, idx_s, jnp.int32(N_ID)) << 6
            o = s << 6
            for k in range(0, D, L):
                ob[pl.ds(o + k, L)] = tb[pl.ds(r + k, L)]

    for j in range(NB - 1):
        fetch(j, j)

    def step(cc, carry):
        for par in range(NB):
            b = cc * NB + par
            nxt = (par + NB - 1) % NB

            @pl.when(b + NB - 1 < BPW)
            def _():
                fetch(b + NB - 1, nxt)

            wait_fetch(par)

            @pl.when(b >= NB)
            def _():
                wait_put(par)

            compute(par)
            put(b, par)
        return carry

    lax.fori_loop(0, BPW // NB, step, 0)
    for par in range(NB):
        wait_put(par)


@jax.jit
def _run(table_flat, pad_row, idx_flat, mask_flat):
    f = pl.kernel(
        _body,
        mesh=plsc.VectorSubcoreMesh(core_axis_name="c", subcore_axis_name="s"),
        out_type=jax.ShapeDtypeStruct((B * N_SYM * D,), jnp.float32),
        scratch_types=[
            [pltpu.VMEM((IW,), jnp.int32) for _ in range(NB)],
            [pltpu.VMEM((IW,), jnp.int32) for _ in range(NB)],
            [pltpu.VMEM((TW + D,), jnp.float32) for _ in range(NB)],
            [pltpu.VMEM((OW,), jnp.float32) for _ in range(NB)],
            [pltpu.SemaphoreType.DMA for _ in range(NB)],
            [pltpu.SemaphoreType.DMA for _ in range(NB)],
        ],
        compiler_params=pltpu.CompilerParams(use_tc_tiling_on_sc=False,
                                             needs_layout_passes=False),
    )
    return f(table_flat, pad_row, idx_flat, mask_flat)


def kernel(encoded_identifiers, identifiers_idxs_of_all_symbols,
           identifiers_idxs_of_all_symbols_mask, special_words_embedding):
    table_flat = encoded_identifiers.reshape(-1)
    pad_row = special_words_embedding[PAD_IDX]
    idx_flat = identifiers_idxs_of_all_symbols.reshape(-1).astype(jnp.int32)
    mask_flat = (identifiers_idxs_of_all_symbols_mask
                 .reshape(-1).astype(jnp.int32))
    out = _run(table_flat, pad_row, idx_flat, mask_flat)
    return out.reshape(B, N_SYM, D)

# --- scband reference (transcript-rebuilt; emitter-appended) ---
"""Pipeline reference for scband-symbols-encoder-89111981457805 (READ-ONLY COPY).

The authoritative reference and input builder live on the scoring server;
editing this copy changes nothing except your own understanding.
"""

import jax, jax.numpy as jnp
import numpy as np

B, N_ID, N_SYM, D = 4096, 200, 200, 64
VOCAB = 4      # special words vocabulary size (<PAD>, <UNK>, ...)
PAD_IDX = 0    # index of <PAD> in the special-words vocab


def setup_inputs(seed: int = 0) -> dict:
    key = jax.random.key(seed)
    k1, k2, k3, k4 = jax.random.split(key, 4)
    encoded_identifiers = jax.random.normal(k1, (B, N_ID, D), dtype=jnp.float32)
    identifiers_idxs_of_all_symbols = jax.random.randint(k2, (B, N_SYM), 0, N_ID, dtype=jnp.int32)
    identifiers_idxs_of_all_symbols_mask = jax.random.randint(k3, (B, N_SYM), 0, 2, dtype=jnp.int32) > 0
    # learned parameter: special-words embedding table (nn.Embedding(VOCAB, D), padding_idx=PAD_IDX)
    special_words_embedding = jax.random.normal(k4, (VOCAB, D), dtype=jnp.float32) * 0.02
    special_words_embedding = special_words_embedding.at[PAD_IDX].set(0.0)
    return {
        "encoded_identifiers": encoded_identifiers,
        "identifiers_idxs_of_all_symbols": identifiers_idxs_of_all_symbols,
        "identifiers_idxs_of_all_symbols_mask": identifiers_idxs_of_all_symbols_mask,
        "special_words_embedding": special_words_embedding,
    }


def reference(encoded_identifiers, identifiers_idxs_of_all_symbols,
              identifiers_idxs_of_all_symbols_mask, special_words_embedding):
    # symbol_pad_embed = embedding(<PAD>)
    symbol_pad_embed = special_words_embedding[PAD_IDX]
    # apply_batched_embeddings: per-example gather of identifier encodings at symbol indices
    gathered = jnp.take_along_axis(
        encoded_identifiers,
        identifiers_idxs_of_all_symbols[:, :, None].astype(jnp.int32),
        axis=1,
    )  # [B, N_SYM, D]
    # masked-out positions get the <PAD> embedding vector
    symbols_encodings = jnp.where(
        identifiers_idxs_of_all_symbols_mask[:, :, None],
        gathered,
        symbol_pad_embed[None, None, :],
    )
    return symbols_encodings

if __name__ == "__main__":
    import jax
    _d = setup_inputs()
    print(jax.jit(kernel)(*tuple(_d.values())))

</pallas_src>

<mosaic_0001>
#map = affine_map<(d0, d1) -> (0)>
module attributes {stable_mosaic.version = 14 : i64} {
  func.func @_body(%arg0: i32, %arg1: i32, %arg2: memref<52428800xf32, #tpu.memory_space<hbm>>, %arg3: memref<64xf32, #tpu.memory_space<hbm>>, %arg4: memref<819200xi32, #tpu.memory_space<hbm>>, %arg5: memref<819200xi32, #tpu.memory_space<hbm>>, %arg6: memref<52428800xf32, #tpu.memory_space<hbm>>, %arg7: memref<216xi32, #tpu.memory_space<vmem>>, %arg8: memref<216xi32, #tpu.memory_space<vmem>>, %arg9: memref<216xi32, #tpu.memory_space<vmem>>, %arg10: memref<216xi32, #tpu.memory_space<vmem>>, %arg11: memref<216xi32, #tpu.memory_space<vmem>>, %arg12: memref<216xi32, #tpu.memory_space<vmem>>, %arg13: memref<216xi32, #tpu.memory_space<vmem>>, %arg14: memref<216xi32, #tpu.memory_space<vmem>>, %arg15: memref<12864xf32, #tpu.memory_space<vmem>>, %arg16: memref<12864xf32, #tpu.memory_space<vmem>>, %arg17: memref<12864xf32, #tpu.memory_space<vmem>>, %arg18: memref<12864xf32, #tpu.memory_space<vmem>>, %arg19: memref<12800xf32, #tpu.memory_space<vmem>>, %arg20: memref<12800xf32, #tpu.memory_space<vmem>>, %arg21: memref<12800xf32, #tpu.memory_space<vmem>>, %arg22: memref<12800xf32, #tpu.memory_space<vmem>>, %arg23: memref<!tpu.dma_semaphore, #tpu.memory_space<semaphore_mem>>, %arg24: memref<!tpu.dma_semaphore, #tpu.memory_space<semaphore_mem>>, %arg25: memref<!tpu.dma_semaphore, #tpu.memory_space<semaphore_mem>>, %arg26: memref<!tpu.dma_semaphore, #tpu.memory_space<semaphore_mem>>, %arg27: memref<!tpu.dma_semaphore, #tpu.memory_space<semaphore_mem>>, %arg28: memref<!tpu.dma_semaphore, #tpu.memory_space<semaphore_mem>>, %arg29: memref<!tpu.dma_semaphore, #tpu.memory_space<semaphore_mem>>, %arg30: memref<!tpu.dma_semaphore, #tpu.memory_space<semaphore_mem>>) attributes {dimension_semantics = [#tpu.dimension_semantics<core_parallel>, #tpu.dimension_semantics<subcore_parallel>], iteration_bounds = array<i64: 2, 16>, scalar_prefetch = 0 : i64, scratch_operands = 24 : i64, tpu.core_type = #tpu.core_type<sc_vector_subcore>, window_params = [{transform_indices = #map}, {transform_indices = #map}, {transform_indices = #map}, {transform_indices = #map}, {transform_indices = #map}]} {
    %mul3A = arith.constant 2 : i32
    %mul3A_0 = arith.muli %arg1, %mul3A : i32
    %add3A = arith.addi %mul3A_0, %arg0 : i32
    %mul3A_1 = arith.constant 128 : i32
    %mul3A_2 = arith.muli %add3A, %mul3A_1 : i32
    %mul3A_3 = arith.constant 12800 : i32
    %mul3A_4 = arith.muli %mul3A_2, %mul3A_3 : i32
    %mul3A_5 = arith.constant 128 : i32
    %mul3A_6 = arith.muli %add3A, %mul3A_5 : i32
    %mul3A_7 = arith.constant 12800 : i32
    %mul3A_8 = arith.muli %mul3A_6, %mul3A_7 : i32
    %mul3A_9 = arith.constant 128 : i32
    %mul3A_10 = arith.muli %add3A, %mul3A_9 : i32
    %mul3A_11 = arith.constant 200 : i32
    %mul3A_12 = arith.muli %mul3A_10, %mul3A_11 : i32
    "tpu.region"() ({
      %run_scoped3A = tpu.sem_alloc : memref<!tpu.dma_semaphore, #tpu.memory_space<semaphore_mem>>
      %dma_start3A_104 = arith.constant 12800 : i32
      %dma_start3A_105 = tpu.memref_slice %arg15[%dma_start3A_104] : memref<12864xf32, #tpu.memory_space<vmem>> -> memref<64xf32, #tpu.memory_space<vmem>>
      %dma_start3A_106 = arith.constant 12800 : i32
      %dma_start3A_107 = tpu.memref_slice %arg15[%dma_start3A_106] : memref<12864xf32, #tpu.memory_space<vmem>> -> memref<64xf32, #tpu.memory_space<vmem>>
      tpu.enqueue_dma source(%arg3 : memref<64xf32, #tpu.memory_space<hbm>>) target(%dma_start3A_107 : memref<64xf32, #tpu.memory_space<vmem>>) target_semaphore(%run_scoped3A : memref<!tpu.dma_semaphore, #tpu.memory_space<semaphore_mem>>)
      %dma_wait3A_108 = arith.constant 12800 : i32
      %dma_wait3A_109 = tpu.memref_slice %arg15[%dma_wait3A_108] : memref<12864xf32, #tpu.memory_space<vmem>> -> memref<64xf32, #tpu.memory_space<vmem>>
      %dma_wait3A_110 = arith.constant 12800 : i32
      %dma_wait3A_111 = tpu.memref_slice %arg15[%dma_wait3A_110] : memref<12864xf32, #tpu.memory_space<vmem>> -> memref<64xf32, #tpu.memory_space<vmem>>
      tpu.wait_dma2 semaphore(%run_scoped3A : memref<!tpu.dma_semaphore, #tpu.memory_space<semaphore_mem>>) src(%arg3 : memref<64xf32, #tpu.memory_space<hbm>>) dst(%dma_wait3A_111 : memref<64xf32, #tpu.memory_space<vmem>>)
      tpu.yield
    }) : () -> ()
    "tpu.region"() ({
      %run_scoped3A = tpu.sem_alloc : memref<!tpu.dma_semaphore, #tpu.memory_space<semaphore_mem>>
      %dma_start3A_104 = arith.constant 12800 : i32
      %dma_start3A_105 = tpu.memref_slice %arg16[%dma_start3A_104] : memref<12864xf32, #tpu.memory_space<vmem>> -> memref<64xf32, #tpu.memory_space<vmem>>
      %dma_start3A_106 = arith.constant 12800 : i32
      %dma_start3A_107 = tpu.memref_slice %arg16[%dma_start3A_106] : memref<12864xf32, #tpu.memory_space<vmem>> -> memref<64xf32, #tpu.memory_space<vmem>>
      tpu.enqueue_dma source(%arg3 : memref<64xf32, #tpu.memory_space<hbm>>) target(%dma_start3A_107 : memref<64xf32, #tpu.memory_space<vmem>>) target_semaphore(%run_scoped3A : memref<!tpu.dma_semaphore, #tpu.memory_space<semaphore_mem>>)
      %dma_wait3A_108 = arith.constant 12800 : i32
      %dma_wait3A_109 = tpu.memref_slice %arg16[%dma_wait3A_108] : memref<12864xf32, #tpu.memory_space<vmem>> -> memref<64xf32, #tpu.memory_space<vmem>>
      %dma_wait3A_110 = arith.constant 12800 : i32
      %dma_wait3A_111 = tpu.memref_slice %arg16[%dma_wait3A_110] : memref<12864xf32, #tpu.memory_space<vmem>> -> memref<64xf32, #tpu.memory_space<vmem>>
      tpu.wait_dma2 semaphore(%run_scoped3A : memref<!tpu.dma_semaphore, #tpu.memory_space<semaphore_mem>>) src(%arg3 : memref<64xf32, #tpu.memory_space<hbm>>) dst(%dma_wait3A_111 : memref<64xf32, #tpu.memory_space<vmem>>)
      tpu.yield
    }) : () -> ()
    "tpu.region"() ({
      %run_scoped3A = tpu.sem_alloc : memref<!tpu.dma_semaphore, #tpu.memory_space<semaphore_mem>>
      %dma_start3A_104 = arith.constant 12800 : i32
      %dma_start3A_105 = tpu.memref_slice %arg17[%dma_start3A_104] : memref<12864xf32, #tpu.memory_space<vmem>> -> memref<64xf32, #tpu.memory_space<vmem>>
      %dma_start3A_106 = arith.constant 12800 : i32
      %dma_start3A_107 = tpu.memref_slice %arg17[%dma_start3A_106] : memref<12864xf32, #tpu.memory_space<vmem>> -> memref<64xf32, #tpu.memory_space<vmem>>
      tpu.enqueue_dma source(%arg3 : memref<64xf32, #tpu.memory_space<hbm>>) target(%dma_start3A_107 : memref<64xf32, #tpu.memory_space<vmem>>) target_semaphore(%run_scoped3A : memref<!tpu.dma_semaphore, #tpu.memory_space<semaphore_mem>>)
      %dma_wait3A_108 = arith.constant 12800 : i32
      %dma_wait3A_109 = tpu.memref_slice %arg17[%dma_wait3A_108] : memref<12864xf32, #tpu.memory_space<vmem>> -> memref<64xf32, #tpu.memory_space<vmem>>
      %dma_wait3A_110 = arith.constant 12800 : i32
      %dma_wait3A_111 = tpu.memref_slice %arg17[%dma_wait3A_110] : memref<12864xf32, #tpu.memory_space<vmem>> -> memref<64xf32, #tpu.memory_space<vmem>>
      tpu.wait_dma2 semaphore(%run_scoped3A : memref<!tpu.dma_semaphore, #tpu.memory_space<semaphore_mem>>) src(%arg3 : memref<64xf32, #tpu.memory_space<hbm>>) dst(%dma_wait3A_111 : memref<64xf32, #tpu.memory_space<vmem>>)
      tpu.yield
    }) : () -> ()
    "tpu.region"() ({
      %run_scoped3A = tpu.sem_alloc : memref<!tpu.dma_semaphore, #tpu.memory_space<semaphore_mem>>
      %dma_start3A_104 = arith.constant 12800 : i32
      %dma_start3A_105 = tpu.memref_slice %arg18[%dma_start3A_104] : memref<12864xf32, #tpu.memory_space<vmem>> -> memref<64xf32, #tpu.memory_space<vmem>>
      %dma_start3A_106 = arith.constant 12800 : i32
      %dma_start3A_107 = tpu.memref_slice %arg18[%dma_start3A_106] : memref<12864xf32, #tpu.memory_space<vmem>> -> memref<64xf32, #tpu.memory_space<vmem>>
      tpu.enqueue_dma source(%arg3 : memref<64xf32, #tpu.memory_space<hbm>>) target(%dma_start3A_107 : memref<64xf32, #tpu.memory_space<vmem>>) target_semaphore(%run_scoped3A : memref<!tpu.dma_semaphore, #tpu.memory_space<semaphore_mem>>)
      %dma_wait3A_108 = arith.constant 12800 : i32
      %dma_wait3A_109 = tpu.memref_slice %arg18[%dma_wait3A_108] : memref<12864xf32, #tpu.memory_space<vmem>> -> memref<64xf32, #tpu.memory_space<vmem>>
      %dma_wait3A_110 = arith.constant 12800 : i32
      %dma_wait3A_111 = tpu.memref_slice %arg18[%dma_wait3A_110] : memref<12864xf32, #tpu.memory_space<vmem>> -> memref<64xf32, #tpu.memory_space<vmem>>
      tpu.wait_dma2 semaphore(%run_scoped3A : memref<!tpu.dma_semaphore, #tpu.memory_space<semaphore_mem>>) src(%arg3 : memref<64xf32, #tpu.memory_space<hbm>>) dst(%dma_wait3A_111 : memref<64xf32, #tpu.memory_space<vmem>>)
      tpu.yield
    }) : () -> ()
    %add3A_13 = arith.constant 0 : i32
    %add3A_14 = arith.addi %mul3A_4, %add3A_13 : i32
    %dma_start3A = arith.constant 0 : i32
    %dma_start3A_15 = tpu.memref_slice %arg15[%dma_start3A] : memref<12864xf32, #tpu.memory_space<vmem>> -> memref<12800xf32, #tpu.memory_space<vmem>>
    %dma_start3A_16 = tpu.memref_slice %arg2[%add3A_14] : memref<52428800xf32, #tpu.memory_space<hbm>> -> memref<12800xf32, #tpu.memory_space<hbm>>
    %dma_start3A_17 = arith.constant 0 : i32
    %dma_start3A_18 = tpu.memref_slice %arg15[%dma_start3A_17] : memref<12864xf32, #tpu.memory_space<vmem>> -> memref<12800xf32, #tpu.memory_space<vmem>>
    %dma_start3A_19 = tpu.memref_slice %arg2[%add3A_14] : memref<52428800xf32, #tpu.memory_space<hbm>> -> memref<12800xf32, #tpu.memory_space<hbm>>
    tpu.enqueue_dma source(%dma_start3A_19 : memref<12800xf32, #tpu.memory_space<hbm>>) target(%dma_start3A_18 : memref<12800xf32, #tpu.memory_space<vmem>>) target_semaphore(%arg23 : memref<!tpu.dma_semaphore, #tpu.memory_space<semaphore_mem>>)
    %add3A_20 = arith.constant 0 : i32
    %add3A_21 = arith.addi %mul3A_12, %add3A_20 : i32
    %dma_start3A_22 = arith.constant 0 : i32
    %dma_start3A_23 = tpu.memref_slice %arg7[%dma_start3A_22] : memref<216xi32, #tpu.memory_space<vmem>> -> memref<200xi32, #tpu.memory_space<vmem>>
    %dma_start3A_24 = tpu.memref_slice %arg4[%add3A_21] : memref<819200xi32, #tpu.memory_space<hbm>> -> memref<200xi32, #tpu.memory_space<hbm>>
    %dma_start3A_25 = arith.constant 0 : i32
    %dma_start3A_26 = tpu.memref_slice %arg7[%dma_start3A_25] : memref<216xi32, #tpu.memory_space<vmem>> -> memref<200xi32, #tpu.memory_space<vmem>>
    %dma_start3A_27 = tpu.memref_slice %arg4[%add3A_21] : memref<819200xi32, #tpu.memory_space<hbm>> -> memref<200xi32, #tpu.memory_space<hbm>>
    tpu.enqueue_dma source(%dma_start3A_27 : memref<200xi32, #tpu.memory_space<hbm>>) target(%dma_start3A_26 : memref<200xi32, #tpu.memory_space<vmem>>) target_semaphore(%arg23 : memref<!tpu.dma_semaphore, #tpu.memory_space<semaphore_mem>>)
    %add3A_28 = arith.constant 0 : i32
    %add3A_29 = arith.addi %mul3A_12, %add3A_28 : i32
    %dma_start3A_30 = arith.constant 0 : i32
    %dma_start3A_31 = tpu.memref_slice %arg11[%dma_start3A_30] : memref<216xi32, #tpu.memory_space<vmem>> -> memref<200xi32, #tpu.memory_space<vmem>>
    %dma_start3A_32 = tpu.memref_slice %arg5[%add3A_29] : memref<819200xi32, #tpu.memory_space<hbm>> -> memref<200xi32, #tpu.memory_space<hbm>>
    %dma_start3A_33 = arith.constant 0 : i32
    %dma_start3A_34 = tpu.memref_slice %arg11[%dma_start3A_33] : memref<216xi32, #tpu.memory_space<vmem>> -> memref<200xi32, #tpu.memory_space<vmem>>
    %dma_start3A_35 = tpu.memref_slice %arg5[%add3A_29] : memref<819200xi32, #tpu.memory_space<hbm>> -> memref<200xi32, #tpu.memory_space<hbm>>
    tpu.enqueue_dma source(%dma_start3A_35 : memref<200xi32, #tpu.memory_space<hbm>>) target(%dma_start3A_34 : memref<200xi32, #tpu.memory_space<vmem>>) target_semaphore(%arg23 : memref<!tpu.dma_semaphore, #tpu.memory_space<semaphore_mem>>)
    %add3A_36 = arith.constant 12800 : i32
    %add3A_37 = arith.addi %mul3A_4, %add3A_36 : i32
    %dma_start3A_38 = arith.constant 0 : i32
    %dma_start3A_39 = tpu.memref_slice %arg16[%dma_start3A_38] : memref<12864xf32, #tpu.memory_space<vmem>> -> memref<12800xf32, #tpu.memory_space<vmem>>
    %dma_start3A_40 = tpu.memref_slice %arg2[%add3A_37] : memref<52428800xf32, #tpu.memory_space<hbm>> -> memref<12800xf32, #tpu.memory_space<hbm>>
    %dma_start3A_41 = arith.constant 0 : i32
    %dma_start3A_42 = tpu.memref_slice %arg16[%dma_start3A_41] : memref<12864xf32, #tpu.memory_space<vmem>> -> memref<12800xf32, #tpu.memory_space<vmem>>
    %dma_start3A_43 = tpu.memref_slice %arg2[%add3A_37] : memref<52428800xf32, #tpu.memory_space<hbm>> -> memref<12800xf32, #tpu.memory_space<hbm>>
    tpu.enqueue_dma source(%dma_start3A_43 : memref<12800xf32, #tpu.memory_space<hbm>>) target(%dma_start3A_42 : memref<12800xf32, #tpu.memory_space<vmem>>) target_semaphore(%arg24 : memref<!tpu.dma_semaphore, #tpu.memory_space<semaphore_mem>>)
    %add3A_44 = arith.constant 200 : i32
    %add3A_45 = arith.addi %mul3A_12, %add3A_44 : i32
    %dma_start3A_46 = arith.constant 0 : i32
    %dma_start3A_47 = tpu.memref_slice %arg8[%dma_start3A_46] : memref<216xi32, #tpu.memory_space<vmem>> -> memref<200xi32, #tpu.memory_space<vmem>>
    %dma_start3A_48 = tpu.memref_slice %arg4[%add3A_45] : memref<819200xi32, #tpu.memory_space<hbm>> -> memref<200xi32, #tpu.memory_space<hbm>>
    %dma_start3A_49 = arith.constant 0 : i32
    %dma_start3A_50 = tpu.memref_slice %arg8[%dma_start3A_49] : memref<216xi32, #tpu.memory_space<vmem>> -> memref<200xi32, #tpu.memory_space<vmem>>
    %dma_start3A_51 = tpu.memref_slice %arg4[%add3A_45] : memref<819200xi32, #tpu.memory_space<hbm>> -> memref<200xi32, #tpu.memory_space<hbm>>
    tpu.enqueue_dma source(%dma_start3A_51 : memref<200xi32, #tpu.memory_space<hbm>>) target(%dma_start3A_50 : memref<200xi32, #tpu.memory_space<vmem>>) target_semaphore(%arg24 : memref<!tpu.dma_semaphore, #tpu.memory_space<semaphore_mem>>)
    %add3A_52 = arith.constant 200 : i32
    %add3A_53 = arith.addi %mul3A_12, %add3A_52 : i32
    %dma_start3A_54 = arith.constant 0 : i32
    %dma_start3A_55 = tpu.memref_slice %arg12[%dma_start3A_54] : memref<216xi32, #tpu.memory_space<vmem>> -> memref<200xi32, #tpu.memory_space<vmem>>
    %dma_start3A_56 = tpu.memref_slice %arg5[%add3A_53] : memref<819200xi32, #tpu.memory_space<hbm>> -> memref<200xi32, #tpu.memory_space<hbm>>
    %dma_start3A_57 = arith.constant 0 : i32
    %dma_start3A_58 = tpu.memref_slice %arg12[%dma_start3A_57] : memref<216xi32, #tpu.memory_space<vmem>> -> memref<200xi32, #tpu.memory_space<vmem>>
    %dma_start3A_59 = tpu.memref_slice %arg5[%add3A_53] : memref<819200xi32, #tpu.memory_space<hbm>> -> memref<200xi32, #tpu.memory_space<hbm>>
    tpu.enqueue_dma source(%dma_start3A_59 : memref<200xi32, #tpu.memory_space<hbm>>) target(%dma_start3A_58 : memref<200xi32, #tpu.memory_space<vmem>>) target_semaphore(%arg24 : memref<!tpu.dma_semaphore, #tpu.memory_space<semaphore_mem>>)
    %add3A_60 = arith.constant 25600 : i32
    %add3A_61 = arith.addi %mul3A_4, %add3A_60 : i32
    %dma_start3A_62 = arith.constant 0 : i32
    %dma_start3A_63 = tpu.memref_slice %arg17[%dma_start3A_62] : memref<12864xf32, #tpu.memory_space<vmem>> -> memref<12800xf32, #tpu.memory_space<vmem>>
    %dma_start3A_64 = tpu.memref_slice %arg2[%add3A_61] : memref<52428800xf32, #tpu.memory_space<hbm>> -> memref<12800xf32, #tpu.memory_space<hbm>>
    %dma_start3A_65 = arith.constant 0 : i32
    %dma_start3A_66 = tpu.memref_slice %arg17[%dma_start3A_65] : memref<12864xf32, #tpu.memory_space<vmem>> -> memref<12800xf32, #tpu.memory_space<vmem>>
    %dma_start3A_67 = tpu.memref_slice %arg2[%add3A_61] : memref<52428800xf32, #tpu.memory_space<hbm>> -> memref<12800xf32, #tpu.memory_space<hbm>>
    tpu.enqueue_dma source(%dma_start3A_67 : memref<12800xf32, #tpu.memory_space<hbm>>) target(%dma_start3A_66 : memref<12800xf32, #tpu.memory_space<vmem>>) target_semaphore(%arg25 : memref<!tpu.dma_semaphore, #tpu.memory_space<semaphore_mem>>)
    %add3A_68 = arith.constant 400 : i32
    %add3A_69 = arith.addi %mul3A_12, %add3A_68 : i32
    %dma_start3A_70 = arith.constant 0 : i32
    %dma_start3A_71 = tpu.memref_slice %arg9[%dma_start3A_70] : memref<216xi32, #tpu.memory_space<vmem>> -> memref<200xi32, #tpu.memory_space<vmem>>
    %dma_start3A_72 = tpu.memref_slice %arg4[%add3A_69] : memref<819200xi32, #tpu.memory_space<hbm>> -> memref<200xi32, #tpu.memory_space<hbm>>
    %dma_start3A_73 = arith.constant 0 : i32
    %dma_start3A_74 = tpu.memref_slice %arg9[%dma_start3A_73] : memref<216xi32, #tpu.memory_space<vmem>> -> memref<200xi32, #tpu.memory_space<vmem>>
    %dma_start3A_75 = tpu.memref_slice %arg4[%add3A_69] : memref<819200xi32, #tpu.memory_space<hbm>> -> memref<200xi32, #tpu.memory_space<hbm>>
    tpu.enqueue_dma source(%dma_start3A_75 : memref<200xi32, #tpu.memory_space<hbm>>) target(%dma_start3A_74 : memref<200xi32, #tpu.memory_space<vmem>>) target_semaphore(%arg25 : memref<!tpu.dma_semaphore, #tpu.memory_space<semaphore_mem>>)
    %add3A_76 = arith.constant 400 : i32
    %add3A_77 = arith.addi %mul3A_12, %add3A_76 : i32
    %dma_start3A_78 = arith.constant 0 : i32
    %dma_start3A_79 = tpu.memref_slice %arg13[%dma_start3A_78] : memref<216xi32, #tpu.memory_space<vmem>> -> memref<200xi32, #tpu.memory_space<vmem>>
    %dma_start3A_80 = tpu.memref_slice %arg5[%add3A_77] : memref<819200xi32, #tpu.memory_space<hbm>> -> memref<200xi32, #tpu.memory_space<hbm>>
    %dma_start3A_81 = arith.constant 0 : i32
    %dma_start3A_82 = tpu.memref_slice %arg13[%dma_start3A_81] : memref<216xi32, #tpu.memory_space<vmem>> -> memref<200xi32, #tpu.memory_space<vmem>>
    %dma_start3A_83 = tpu.memref_slice %arg5[%add3A_77] : memref<819200xi32, #tpu.memory_space<hbm>> -> memref<200xi32, #tpu.memory_space<hbm>>
    tpu.enqueue_dma source(%dma_start3A_83 : memref<200xi32, #tpu.memory_space<hbm>>) target(%dma_start3A_82 : memref<200xi32, #tpu.memory_space<vmem>>) target_semaphore(%arg25 : memref<!tpu.dma_semaphore, #tpu.memory_space<semaphore_mem>>)
    %scan3A = arith.constant 0 : i32
    %scan3A_84 = arith.constant 0 : i32
    %scan3A_85 = arith.constant 32 : i32
    %scan3A_86 = arith.addi %scan3A_84, %scan3A_85 : i32
    %scan3A_87 = arith.constant 1 : i32
    scf.for %scan3A_104 = %scan3A_84 to %scan3A_86 step %scan3A_87  : i32 {
      %mul3A_105 = arith.constant 4 : i32
      %mul3A_106 = arith.muli %scan3A_104, %mul3A_105 : i32
      %add3A_107 = arith.constant 0 : i32
      %add3A_108 = arith.addi %mul3A_106, %add3A_107 : i32
      %add3A_109 = arith.constant 4 : i32
      %add3A_110 = arith.addi %add3A_108, %add3A_109 : i32
      %sub3A = arith.constant 1 : i32
      %sub3A_111 = arith.subi %add3A_110, %sub3A : i32
      %lt3A = arith.constant 128 : i32
      %lt3A_112 = arith.cmpi slt, %sub3A_111, %lt3A : i32
      %convert_element_type3A = arith.extui %lt3A_112 : i1 to i32
      %cond3A = arith.constant 0 : i32
      %cond3A_113 = arith.cmpi ne, %convert_element_type3A, %cond3A : i32
      scf.if %cond3A_113 {
        %add3A_299 = arith.constant 4 : i32
        %add3A_300 = arith.addi %add3A_108, %add3A_299 : i32
        %sub3A_301 = arith.constant 1 : i32
        %sub3A_302 = arith.subi %add3A_300, %sub3A_301 : i32
        %mul3A_303 = arith.constant 12800 : i32
        %mul3A_304 = arith.muli %sub3A_302, %mul3A_303 : i32
        %add3A_305 = arith.addi %mul3A_4, %mul3A_304 : i32
        %dma_start3A_306 = arith.constant 0 : i32
        %dma_start3A_307 = tpu.memref_slice %arg18[%dma_start3A_306] : memref<12864xf32, #tpu.memory_space<vmem>> -> memref<12800xf32, #tpu.memory_space<vmem>>
        %dma_start3A_308 = tpu.memref_slice %arg2[%add3A_305] : memref<52428800xf32, #tpu.memory_space<hbm>> -> memref<12800xf32, #tpu.memory_space<hbm>>
        %dma_start3A_309 = arith.constant 0 : i32
        %dma_start3A_310 = tpu.memref_slice %arg18[%dma_start3A_309] : memref<12864xf32, #tpu.memory_space<vmem>> -> memref<12800xf32, #tpu.memory_space<vmem>>
        %dma_start3A_311 = tpu.memref_slice %arg2[%add3A_305] : memref<52428800xf32, #tpu.memory_space<hbm>> -> memref<12800xf32, #tpu.memory_space<hbm>>
        tpu.enqueue_dma source(%dma_start3A_311 : memref<12800xf32, #tpu.memory_space<hbm>>) target(%dma_start3A_310 : memref<12800xf32, #tpu.memory_space<vmem>>) target_semaphore(%arg26 : memref<!tpu.dma_semaphore, #tpu.memory_space<semaphore_mem>>)
        %mul3A_312 = arith.constant 200 : i32
        %mul3A_313 = arith.muli %sub3A_302, %mul3A_312 : i32
        %add3A_314 = arith.addi %mul3A_12, %mul3A_313 : i32
        %dma_start3A_315 = arith.constant 0 : i32
        %dma_start3A_316 = tpu.memref_slice %arg10[%dma_start3A_315] : memref<216xi32, #tpu.memory_space<vmem>> -> memref<200xi32, #tpu.memory_space<vmem>>
        %dma_start3A_317 = tpu.memref_slice %arg4[%add3A_314] : memref<819200xi32, #tpu.memory_space<hbm>> -> memref<200xi32, #tpu.memory_space<hbm>>
        %dma_start3A_318 = arith.constant 0 : i32
        %dma_start3A_319 = tpu.memref_slice %arg10[%dma_start3A_318] : memref<216xi32, #tpu.memory_space<vmem>> -> memref<200xi32, #tpu.memory_space<vmem>>
        %dma_start3A_320 = tpu.memref_slice %arg4[%add3A_314] : memref<819200xi32, #tpu.memory_space<hbm>> -> memref<200xi32, #tpu.memory_space<hbm>>
        tpu.enqueue_dma source(%dma_start3A_320 : memref<200xi32, #tpu.memory_space<hbm>>) target(%dma_start3A_319 : memref<200xi32, #tpu.memory_space<vmem>>) target_semaphore(%arg26 : memref<!tpu.dma_semaphore, #tpu.memory_space<semaphore_mem>>)
        %mul3A_321 = arith.constant 200 : i32
        %mul3A_322 = arith.muli %sub3A_302, %mul3A_321 : i32
        %add3A_323 = arith.addi %mul3A_12, %mul3A_322 : i32
        %dma_start3A_324 = arith.constant 0 : i32
        %dma_start3A_325 = tpu.memref_slice %arg14[%dma_start3A_324] : memref<216xi32, #tpu.memory_space<vmem>> -> memref<200xi32, #tpu.memory_space<vmem>>
        %dma_start3A_326 = tpu.memref_slice %arg5[%add3A_323] : memref<819200xi32, #tpu.memory_space<hbm>> -> memref<200xi32, #tpu.memory_space<hbm>>
        %dma_start3A_327 = arith.constant 0 : i32
        %dma_start3A_328 = tpu.memref_slice %arg14[%dma_start3A_327] : memref<216xi32, #tpu.memory_space<vmem>> -> memref<200xi32, #tpu.memory_space<vmem>>
        %dma_start3A_329 = tpu.memref_slice %arg5[%add3A_323] : memref<819200xi32, #tpu.memory_space<hbm>> -> memref<200xi32, #tpu.memory_space<hbm>>
        tpu.enqueue_dma source(%dma_start3A_329 : memref<200xi32, #tpu.memory_space<hbm>>) target(%dma_start3A_328 : memref<200xi32, #tpu.memory_space<vmem>>) target_semaphore(%arg26 : memref<!tpu.dma_semaphore, #tpu.memory_space<semaphore_mem>>)
      } else {
      }
      %dma_wait3A_114 = arith.constant 0 : i32
      %dma_wait3A_115 = tpu.memref_slice %arg15[%dma_wait3A_114] : memref<12864xf32, #tpu.memory_space<vmem>> -> memref<12800xf32, #tpu.memory_space<vmem>>
      %dma_wait3A_116 = arith.constant 0 : i32
      %dma_wait3A_117 = tpu.memref_slice %arg2[%dma_wait3A_116] : memref<52428800xf32, #tpu.memory_space<hbm>> -> memref<12800xf32, #tpu.memory_space<hbm>>
      %dma_wait3A_118 = arith.constant 0 : i32
      %dma_wait3A_119 = tpu.memref_slice %arg15[%dma_wait3A_118] : memref<12864xf32, #tpu.memory_space<vmem>> -> memref<12800xf32, #tpu.memory_space<vmem>>
      %dma_wait3A_120 = arith.constant 0 : i32
      %dma_wait3A_121 = tpu.memref_slice %arg2[%dma_wait3A_120] : memref<52428800xf32, #tpu.memory_space<hbm>> -> memref<12800xf32, #tpu.memory_space<hbm>>
      tpu.wait_dma2 semaphore(%arg23 : memref<!tpu.dma_semaphore, #tpu.memory_space<semaphore_mem>>) src(%dma_wait3A_121 : memref<12800xf32, #tpu.memory_space<hbm>>) dst(%dma_wait3A_119 : memref<12800xf32, #tpu.memory_space<vmem>>)
      %dma_wait3A_122 = arith.constant 0 : i32
      %dma_wait3A_123 = tpu.memref_slice %arg7[%dma_wait3A_122] : memref<216xi32, #tpu.memory_space<vmem>> -> memref<200xi32, #tpu.memory_space<vmem>>
      %dma_wait3A_124 = arith.constant 0 : i32
      %dma_wait3A_125 = tpu.memref_slice %arg4[%dma_wait3A_124] : memref<819200xi32, #tpu.memory_space<hbm>> -> memref<200xi32, #tpu.memory_space<hbm>>
      %dma_wait3A_126 = arith.constant 0 : i32
      %dma_wait3A_127 = tpu.memref_slice %arg7[%dma_wait3A_126] : memref<216xi32, #tpu.memory_space<vmem>> -> memref<200xi32, #tpu.memory_space<vmem>>
      %dma_wait3A_128 = arith.constant 0 : i32
      %dma_wait3A_129 = tpu.memref_slice %arg4[%dma_wait3A_128] : memref<819200xi32, #tpu.memory_space<hbm>> -> memref<200xi32, #tpu.memory_space<hbm>>
      tpu.wait_dma2 semaphore(%arg23 : memref<!tpu.dma_semaphore, #tpu.memory_space<semaphore_mem>>) src(%dma_wait3A_129 : memref<200xi32, #tpu.memory_space<hbm>>) dst(%dma_wait3A_127 : memref<200xi32, #tpu.memory_space<vmem>>)
      %dma_wait3A_130 = arith.constant 0 : i32
      %dma_wait3A_131 = tpu.memref_slice %arg11[%dma_wait3A_130] : memref<216xi32, #tpu.memory_space<vmem>> -> memref<200xi32, #tpu.memory_space<vmem>>
      %dma_wait3A_132 = arith.constant 0 : i32
      %dma_wait3A_133 = tpu.memref_slice %arg5[%dma_wait3A_132] : memref<819200xi32, #tpu.memory_space<hbm>> -> memref<200xi32, #tpu.memory_space<hbm>>
      %dma_wait3A_134 = arith.constant 0 : i32
      %dma_wait3A_135 = tpu.memref_slice %arg11[%dma_wait3A_134] : memref<216xi32, #tpu.memory_space<vmem>> -> memref<200xi32, #tpu.memory_space<vmem>>
      %dma_wait3A_136 = arith.constant 0 : i32
      %dma_wait3A_137 = tpu.memref_slice %arg5[%dma_wait3A_136] : memref<819200xi32, #tpu.memory_space<hbm>> -> memref<200xi32, #tpu.memory_space<hbm>>
      tpu.wait_dma2 semaphore(%arg23 : memref<!tpu.dma_semaphore, #tpu.memory_space<semaphore_mem>>) src(%dma_wait3A_137 : memref<200xi32, #tpu.memory_space<hbm>>) dst(%dma_wait3A_135 : memref<200xi32, #tpu.memory_space<vmem>>)
      %ge3A = arith.constant 4 : i32
      %ge3A_138 = arith.cmpi sge, %add3A_108, %ge3A : i32
      %convert_element_type3A_139 = arith.extui %ge3A_138 : i1 to i32
      %cond3A_140 = arith.constant 0 : i32
      %cond3A_141 = arith.cmpi ne, %convert_element_type3A_139, %cond3A_140 : i32
      scf.if %cond3A_141 {
        %dma_wait3A_299 = arith.constant 0 : i32
        %dma_wait3A_300 = tpu.memref_slice %arg6[%dma_wait3A_299] : memref<52428800xf32, #tpu.memory_space<hbm>> -> memref<12800xf32, #tpu.memory_space<hbm>>
        %dma_wait3A_301 = arith.constant 0 : i32
        %dma_wait3A_302 = tpu.memref_slice %arg6[%dma_wait3A_301] : memref<52428800xf32, #tpu.memory_space<hbm>> -> memref<12800xf32, #tpu.memory_space<hbm>>
        tpu.wait_dma2 semaphore(%arg27 : memref<!tpu.dma_semaphore, #tpu.memory_space<semaphore_mem>>) src(%arg19 : memref<12800xf32, #tpu.memory_space<vmem>>) dst(%dma_wait3A_302 : memref<12800xf32, #tpu.memory_space<hbm>>)
      } else {
      }
      %parallel_loop3A = arith.constant 0 : i32
      %parallel_loop3A_142 = arith.constant 200 : i32
      %parallel_loop3A_143 = arith.constant 1 : i32
      scf.for %parallel_loop3A_299 = %parallel_loop3A to %parallel_loop3A_142 step %parallel_loop3A_143  : i32 {
        %parallel_loop3A_300 = arith.index_cast %parallel_loop3A_299 : i32 to index
        %parallel_loop3A_301 = tpu.vector_load %arg7[%parallel_loop3A_300] {strides = array<i32>} : memref<216xi32, #tpu.memory_space<vmem>>, vector<16xi32>,
        %parallel_loop3A_302 = vector.extract_strided_slice %parallel_loop3A_301 {offsets = [0], sizes = [1], strides = [1]} : vector<16xi32> to vector<1xi32>
        %parallel_loop3A_303 = vector.extract %parallel_loop3A_302[0] : i32 from vector<1xi32>
        %parallel_loop3A_304 = arith.index_cast %parallel_loop3A_299 : i32 to index
        %parallel_loop3A_305 = tpu.vector_load %arg11[%parallel_loop3A_304] {strides = array<i32>} : memref<216xi32, #tpu.memory_space<vmem>>, vector<16xi32>,
        %parallel_loop3A_306 = vector.extract_strided_slice %parallel_loop3A_305 {offsets = [0], sizes = [1], strides = [1]} : vector<16xi32> to vector<1xi32>
        %parallel_loop3A_307 = vector.extract %parallel_loop3A_306[0] : i32 from vector<1xi32>
        %parallel_loop3A_308 = arith.constant 0 : i32
        %parallel_loop3A_309 = arith.cmpi ne, %parallel_loop3A_307, %parallel_loop3A_308 : i32
        %parallel_loop3A_310 = arith.constant 200 : i32
        %parallel_loop3A_311 = arith.select %parallel_loop3A_309, %parallel_loop3A_303, %parallel_loop3A_310 : i32
        %parallel_loop3A_312 = arith.constant 6 : i32
        %parallel_loop3A_313 = arith.shli %parallel_loop3A_311, %parallel_loop3A_312 : i32
        %parallel_loop3A_314 = arith.constant 6 : i32
        %parallel_loop3A_315 = arith.shli %parallel_loop3A_299, %parallel_loop3A_314 : i32
        %parallel_loop3A_316 = arith.constant 0 : i32
        %parallel_loop3A_317 = arith.addi %parallel_loop3A_313, %parallel_loop3A_316 : i32
        %parallel_loop3A_318 = arith.index_cast %parallel_loop3A_317 : i32 to index
        %parallel_loop3A_319 = tpu.vector_load %arg15[%parallel_loop3A_318] {strides = array<i32>} : memref<12864xf32, #tpu.memory_space<vmem>>, vector<16xf32>,
        %parallel_loop3A_320 = arith.constant 0 : i32
        %parallel_loop3A_321 = arith.addi %parallel_loop3A_315, %parallel_loop3A_320 : i32
        %parallel_loop3A_322 = arith.index_cast %parallel_loop3A_321 : i32 to index
        %parallel_loop3A_323 = tpu.vector_load %arg19[%parallel_loop3A_322] {strides = array<i32>} : memref<12800xf32, #tpu.memory_space<vmem>>, vector<16xf32>,
        tpu.vector_store %arg19[%parallel_loop3A_322], %parallel_loop3A_319 {strides = array<i32>} : memref<12800xf32, #tpu.memory_space<vmem>>, vector<16xf32>,
        %parallel_loop3A_324 = arith.constant 16 : i32
        %parallel_loop3A_325 = arith.addi %parallel_loop3A_313, %parallel_loop3A_324 : i32
        %parallel_loop3A_326 = arith.index_cast %parallel_loop3A_325 : i32 to index
        %parallel_loop3A_327 = tpu.vector_load %arg15[%parallel_loop3A_326] {strides = array<i32>} : memref<12864xf32, #tpu.memory_space<vmem>>, vector<16xf32>,
        %parallel_loop3A_328 = arith.constant 16 : i32
        %parallel_loop3A_329 = arith.addi %parallel_loop3A_315, %parallel_loop3A_328 : i32
        %parallel_loop3A_330 = arith.index_cast %parallel_loop3A_329 : i32 to index
        %parallel_loop3A_331 = tpu.vector_load %arg19[%parallel_loop3A_330] {strides = array<i32>} : memref<12800xf32, #tpu.memory_space<vmem>>, vector<16xf32>,
        tpu.vector_store %arg19[%parallel_loop3A_330], %parallel_loop3A_327 {strides = array<i32>} : memref<12800xf32, #tpu.memory_space<vmem>>, vector<16xf32>,
        %parallel_loop3A_332 = arith.constant 32 : i32
        %parallel_loop3A_333 = arith.addi %parallel_loop3A_313, %parallel_loop3A_332 : i32
        %parallel_loop3A_334 = arith.index_cast %parallel_loop3A_333 : i32 to index
        %parallel_loop3A_335 = tpu.vector_load %arg15[%parallel_loop3A_334] {strides = array<i32>} : memref<12864xf32, #tpu.memory_space<vmem>>, vector<16xf32>,
        %parallel_loop3A_336 = arith.constant 32 : i32
        %parallel_loop3A_337 = arith.addi %parallel_loop3A_315, %parallel_loop3A_336 : i32
        %parallel_loop3A_338 = arith.index_cast %parallel_loop3A_337 : i32 to index
        %parallel_loop3A_339 = tpu.vector_load %arg19[%parallel_loop3A_338] {strides = array<i32>} : memref<12800xf32, #tpu.memory_space<vmem>>, vector<16xf32>,
        tpu.vector_store %arg19[%parallel_loop3A_338], %parallel_loop3A_335 {strides = array<i32>} : memref<12800xf32, #tpu.memory_space<vmem>>, vector<16xf32>,
        %parallel_loop3A_340 = arith.constant 48 : i32
        %parallel_loop3A_341 = arith.addi %parallel_loop3A_313, %parallel_loop3A_340 : i32
        %parallel_loop3A_342 = arith.index_cast %parallel_loop3A_341 : i32 to index
        %parallel_loop3A_343 = tpu.vector_load %arg15[%parallel_loop3A_342] {strides = array<i32>} : memref<12864xf32, #tpu.memory_space<vmem>>, vector<16xf32>,
        %parallel_loop3A_344 = arith.constant 48 : i32
        %parallel_loop3A_345 = arith.addi %parallel_loop3A_315, %parallel_loop3A_344 : i32
        %parallel_loop3A_346 = arith.index_cast %parallel_loop3A_345 : i32 to index
        %parallel_loop3A_347 = tpu.vector_load %arg19[%parallel_loop3A_346] {strides = array<i32>} : memref<12800xf32, #tpu.memory_space<vmem>>, vector<16xf32>,
        tpu.vector_store %arg19[%parallel_loop3A_346], %parallel_loop3A_343 {strides = array<i32>} : memref<12800xf32, #tpu.memory_space<vmem>>, vector<16xf32>,
      } {sc.loop_unroll_factor = 8 : i64, sc.parallel_access}
      %mul3A_144 = arith.constant 12800 : i32
      %mul3A_145 = arith.muli %add3A_108, %mul3A_144 : i32
      %add3A_146 = arith.addi %mul3A_8, %mul3A_145 : i32
      %dma_start3A_147 = tpu.memref_slice %arg6[%add3A_146] : memref<52428800xf32, #tpu.memory_space<hbm>> -> memref<12800xf32, #tpu.memory_space<hbm>>
      %dma_start3A_148 = tpu.memref_slice %arg6[%add3A_146] : memref<52428800xf32, #tpu.memory_space<hbm>> -> memref<12800xf32, #tpu.memory_space<hbm>>
      tpu.enqueue_dma source(%arg19 : memref<12800xf32, #tpu.memory_space<vmem>>) target(%dma_start3A_148 : memref<12800xf32, #tpu.memory_space<hbm>>) target_semaphore(%arg27 : memref<!tpu.dma_semaphore, #tpu.memory_space<semaphore_mem>>)
      %mul3A_149 = arith.constant 4 : i32
      %mul3A_150 = arith.muli %scan3A_104, %mul3A_149 : i32
      %add3A_151 = arith.constant 1 : i32
      %add3A_152 = arith.addi %mul3A_150, %add3A_151 : i32
      %add3A_153 = arith.constant 4 : i32
      %add3A_154 = arith.addi %add3A_152, %add3A_153 : i32
      %sub3A_155 = arith.constant 1 : i32
      %sub3A_156 = arith.subi %add3A_154, %sub3A_155 : i32
      %lt3A_157 = arith.constant 128 : i32
      %lt3A_158 = arith.cmpi slt, %sub3A_156, %lt3A_157 : i32
      %convert_element_type3A_159 = arith.extui %lt3A_158 : i1 to i32
      %cond3A_160 = arith.constant 0 : i32
      %cond3A_161 = arith.cmpi ne, %convert_element_type3A_159, %cond3A_160 : i32
      scf.if %cond3A_161 {
        %add3A_299 = arith.constant 4 : i32
        %add3A_300 = arith.addi %add3A_152, %add3A_299 : i32
        %sub3A_301 = arith.constant 1 : i32
        %sub3A_302 = arith.subi %add3A_300, %sub3A_301 : i32
        %mul3A_303 = arith.constant 12800 : i32
        %mul3A_304 = arith.muli %sub3A_302, %mul3A_303 : i32
        %add3A_305 = arith.addi %mul3A_4, %mul3A_304 : i32
        %dma_start3A_306 = arith.constant 0 : i32
        %dma_start3A_307 = tpu.memref_slice %arg15[%dma_start3A_306] : memref<12864xf32, #tpu.memory_space<vmem>> -> memref<12800xf32, #tpu.memory_space<vmem>>
        %dma_start3A_308 = tpu.memref_slice %arg2[%add3A_305] : memref<52428800xf32, #tpu.memory_space<hbm>> -> memref<12800xf32, #tpu.memory_space<hbm>>
        %dma_start3A_309 = arith.constant 0 : i32
        %dma_start3A_310 = tpu.memref_slice %arg15[%dma_start3A_309] : memref<12864xf32, #tpu.memory_space<vmem>> -> memref<12800xf32, #tpu.memory_space<vmem>>
        %dma_start3A_311 = tpu.memref_slice %arg2[%add3A_305] : memref<52428800xf32, #tpu.memory_space<hbm>> -> memref<12800xf32, #tpu.memory_space<hbm>>
        tpu.enqueue_dma source(%dma_start3A_311 : memref<12800xf32, #tpu.memory_space<hbm>>) target(%dma_start3A_310 : memref<12800xf32, #tpu.memory_space<vmem>>) target_semaphore(%arg23 : memref<!tpu.dma_semaphore, #tpu.memory_space<semaphore_mem>>)
        %mul3A_312 = arith.constant 200 : i32
        %mul3A_313 = arith.muli %sub3A_302, %mul3A_312 : i32
        %add3A_314 = arith.addi %mul3A_12, %mul3A_313 : i32
        %dma_start3A_315 = arith.constant 0 : i32
        %dma_start3A_316 = tpu.memref_slice %arg7[%dma_start3A_315] : memref<216xi32, #tpu.memory_space<vmem>> -> memref<200xi32, #tpu.memory_space<vmem>>
        %dma_start3A_317 = tpu.memref_slice %arg4[%add3A_314] : memref<819200xi32, #tpu.memory_space<hbm>> -> memref<200xi32, #tpu.memory_space<hbm>>
        %dma_start3A_318 = arith.constant 0 : i32
        %dma_start3A_319 = tpu.memref_slice %arg7[%dma_start3A_318] : memref<216xi32, #tpu.memory_space<vmem>> -> memref<200xi32, #tpu.memory_space<vmem>>
        %dma_start3A_320 = tpu.memref_slice %arg4[%add3A_314] : memref<819200xi32, #tpu.memory_space<hbm>> -> memref<200xi32, #tpu.memory_space<hbm>>
        tpu.enqueue_dma source(%dma_start3A_320 : memref<200xi32, #tpu.memory_space<hbm>>) target(%dma_start3A_319 : memref<200xi32, #tpu.memory_space<vmem>>) target_semaphore(%arg23 : memref<!tpu.dma_semaphore, #tpu.memory_space<semaphore_mem>>)
        %mul3A_321 = arith.constant 200 : i32
        %mul3A_322 = arith.muli %sub3A_302, %mul3A_321 : i32
        %add3A_323 = arith.addi %mul3A_12, %mul3A_322 : i32
        %dma_start3A_324 = arith.constant 0 : i32
        %dma_start3A_325 = tpu.memref_slice %arg11[%dma_start3A_324] : memref<216xi32, #tpu.memory_space<vmem>> -> memref<200xi32, #tpu.memory_space<vmem>>
        %dma_start3A_326 = tpu.memref_slice %arg5[%add3A_323] : memref<819200xi32, #tpu.memory_space<hbm>> -> memref<200xi32, #tpu.memory_space<hbm>>
        %dma_start3A_327 = arith.constant 0 : i32
        %dma_start3A_328 = tpu.memref_slice %arg11[%dma_start3A_327] : memref<216xi32, #tpu.memory_space<vmem>> -> memref<200xi32, #tpu.memory_space<vmem>>
        %dma_start3A_329 = tpu.memref_slice %arg5[%add3A_323] : memref<819200xi32, #tpu.memory_space<hbm>> -> memref<200xi32, #tpu.memory_space<hbm>>
        tpu.enqueue_dma source(%dma_start3A_329 : memref<200xi32, #tpu.memory_space<hbm>>) target(%dma_start3A_328 : memref<200xi32, #tpu.memory_space<vmem>>) target_semaphore(%arg23 : memref<!tpu.dma_semaphore, #tpu.memory_space<semaphore_mem>>)
      } else {
      }
      %dma_wait3A_162 = arith.constant 0 : i32
      %dma_wait3A_163 = tpu.memref_slice %arg16[%dma_wait3A_162] : memref<12864xf32, #tpu.memory_space<vmem>> -> memref<12800xf32, #tpu.memory_space<vmem>>
      %dma_wait3A_164 = arith.constant 0 : i32
      %dma_wait3A_165 = tpu.memref_slice %arg2[%dma_wait3A_164] : memref<52428800xf32, #tpu.memory_space<hbm>> -> memref<12800xf32, #tpu.memory_space<hbm>>
      %dma_wait3A_166 = arith.constant 0 : i32
      %dma_wait3A_167 = tpu.memref_slice %arg16[%dma_wait3A_166] : memref<12864xf32, #tpu.memory_space<vmem>> -> memref<12800xf32, #tpu.memory_space<vmem>>
      %dma_wait3A_168 = arith.constant 0 : i32
      %dma_wait3A_169 = tpu.memref_slice %arg2[%dma_wait3A_168] : memref<52428800xf32, #tpu.memory_space<hbm>> -> memref<12800xf32, #tpu.memory_space<hbm>>
      tpu.wait_dma2 semaphore(%arg24 : memref<!tpu.dma_semaphore, #tpu.memory_space<semaphore_mem>>) src(%dma_wait3A_169 : memref<12800xf32, #tpu.memory_space<hbm>>) dst(%dma_wait3A_167 : memref<12800xf32, #tpu.memory_space<vmem>>)
      %dma_wait3A_170 = arith.constant 0 : i32
      %dma_wait3A_171 = tpu.memref_slice %arg8[%dma_wait3A_170] : memref<216xi32, #tpu.memory_space<vmem>> -> memref<200xi32, #tpu.memory_space<vmem>>
      %dma_wait3A_172 = arith.constant 0 : i32
      %dma_wait3A_173 = tpu.memref_slice %arg4[%dma_wait3A_172] : memref<819200xi32, #tpu.memory_space<hbm>> -> memref<200xi32, #tpu.memory_space<hbm>>
      %dma_wait3A_174 = arith.constant 0 : i32
      %dma_wait3A_175 = tpu.memref_slice %arg8[%dma_wait3A_174] : memref<216xi32, #tpu.memory_space<vmem>> -> memref<200xi32, #tpu.memory_space<vmem>>
      %dma_wait3A_176 = arith.constant 0 : i32
      %dma_wait3A_177 = tpu.memref_slice %arg4[%dma_wait3A_176] : memref<819200xi32, #tpu.memory_space<hbm>> -> memref<200xi32, #tpu.memory_space<hbm>>
      tpu.wait_dma2 semaphore(%arg24 : memref<!tpu.dma_semaphore, #tpu.memory_space<semaphore_mem>>) src(%dma_wait3A_177 : memref<200xi32, #tpu.memory_space<hbm>>) dst(%dma_wait3A_175 : memref<200xi32, #tpu.memory_space<vmem>>)
      %dma_wait3A_178 = arith.constant 0 : i32
      %dma_wait3A_179 = tpu.memref_slice %arg12[%dma_wait3A_178] : memref<216xi32, #tpu.memory_space<vmem>> -> memref<200xi32, #tpu.memory_space<vmem>>
      %dma_wait3A_180 = arith.constant 0 : i32
      %dma_wait3A_181 = tpu.memref_slice %arg5[%dma_wait3A_180] : memref<819200xi32, #tpu.memory_space<hbm>> -> memref<200xi32, #tpu.memory_space<hbm>>
      %dma_wait3A_182 = arith.constant 0 : i32
      %dma_wait3A_183 = tpu.memref_slice %arg12[%dma_wait3A_182] : memref<216xi32, #tpu.memory_space<vmem>> -> memref<200xi32, #tpu.memory_space<vmem>>
      %dma_wait3A_184 = arith.constant 0 : i32
      %dma_wait3A_185 = tpu.memref_slice %arg5[%dma_wait3A_184] : memref<819200xi32, #tpu.memory_space<hbm>> -> memref<200xi32, #tpu.memory_space<hbm>>
      tpu.wait_dma2 semaphore(%arg24 : memref<!tpu.dma_semaphore, #tpu.memory_space<semaphore_mem>>) src(%dma_wait3A_185 : memref<200xi32, #tpu.memory_space<hbm>>) dst(%dma_wait3A_183 : memref<200xi32, #tpu.memory_space<vmem>>)
      %ge3A_186 = arith.constant 4 : i32
      %ge3A_187 = arith.cmpi sge, %add3A_152, %ge3A_186 : i32
      %convert_element_type3A_188 = arith.extui %ge3A_187 : i1 to i32
      %cond3A_189 = arith.constant 0 : i32
      %cond3A_190 = arith.cmpi ne, %convert_element_type3A_188, %cond3A_189 : i32
      scf.if %cond3A_190 {
        %dma_wait3A_299 = arith.constant 0 : i32
        %dma_wait3A_300 = tpu.memref_slice %arg6[%dma_wait3A_299] : memref<52428800xf32, #tpu.memory_space<hbm>> -> memref<12800xf32, #tpu.memory_space<hbm>>
        %dma_wait3A_301 = arith.constant 0 : i32
        %dma_wait3A_302 = tpu.memref_slice %arg6[%dma_wait3A_301] : memref<52428800xf32, #tpu.memory_space<hbm>> -> memref<12800xf32, #tpu.memory_space<hbm>>
        tpu.wait_dma2 semaphore(%arg28 : memref<!tpu.dma_semaphore, #tpu.memory_space<semaphore_mem>>) src(%arg20 : memref<12800xf32, #tpu.memory_space<vmem>>) dst(%dma_wait3A_302 : memref<12800xf32, #tpu.memory_space<hbm>>)
      } else {
      }
      %parallel_loop3A_191 = arith.constant 0 : i32
      %parallel_loop3A_192 = arith.constant 200 : i32
      %parallel_loop3A_193 = arith.constant 1 : i32
      scf.for %parallel_loop3A_299 = %parallel_loop3A_191 to %parallel_loop3A_192 step %parallel_loop3A_193  : i32 {
        %parallel_loop3A_300 = arith.index_cast %parallel_loop3A_299 : i32 to index
        %parallel_loop3A_301 = tpu.vector_load %arg8[%parallel_loop3A_300] {strides = array<i32>} : memref<216xi32, #tpu.memory_space<vmem>>, vector<16xi32>,
        %parallel_loop3A_302 = vector.extract_strided_slice %parallel_loop3A_301 {offsets = [0], sizes = [1], strides = [1]} : vector<16xi32> to vector<1xi32>
        %parallel_loop3A_303 = vector.extract %parallel_loop3A_302[0] : i32 from vector<1xi32>
        %parallel_loop3A_304 = arith.index_cast %parallel_loop3A_299 : i32 to index
        %parallel_loop3A_305 = tpu.vector_load %arg12[%parallel_loop3A_304] {strides = array<i32>} : memref<216xi32, #tpu.memory_space<vmem>>, vector<16xi32>,
        %parallel_loop3A_306 = vector.extract_strided_slice %parallel_loop3A_305 {offsets = [0], sizes = [1], strides = [1]} : vector<16xi32> to vector<1xi32>
        %parallel_loop3A_307 = vector.extract %parallel_loop3A_306[0] : i32 from vector<1xi32>
        %parallel_loop3A_308 = arith.constant 0 : i32
        %parallel_loop3A_309 = arith.cmpi ne, %parallel_loop3A_307, %parallel_loop3A_308 : i32
        %parallel_loop3A_310 = arith.constant 200 : i32
        %parallel_loop3A_311 = arith.select %parallel_loop3A_309, %parallel_loop3A_303, %parallel_loop3A_310 : i32
        %parallel_loop3A_312 = arith.constant 6 : i32
        %parallel_loop3A_313 = arith.shli %parallel_loop3A_311, %parallel_loop3A_312 : i32
        %parallel_loop3A_314 = arith.constant 6 : i32
        %parallel_loop3A_315 = arith.shli %parallel_loop3A_299, %parallel_loop3A_314 : i32
        %parallel_loop3A_316 = arith.constant 0 : i32
        %parallel_loop3A_317 = arith.addi %parallel_loop3A_313, %parallel_loop3A_316 : i32
        %parallel_loop3A_318 = arith.index_cast %parallel_loop3A_317 : i32 to index
        %parallel_loop3A_319 = tpu.vector_load %arg16[%parallel_loop3A_318] {strides = array<i32>} : memref<12864xf32, #tpu.memory_space<vmem>>, vector<16xf32>,
        %parallel_loop3A_320 = arith.constant 0 : i32
        %parallel_loop3A_321 = arith.addi %parallel_loop3A_315, %parallel_loop3A_320 : i32
        %parallel_loop3A_322 = arith.index_cast %parallel_loop3A_321 : i32 to index
        %parallel_loop3A_323 = tpu.vector_load %arg20[%parallel_loop3A_322] {strides = array<i32>} : memref<12800xf32, #tpu.memory_space<vmem>>, vector<16xf32>,
        tpu.vector_store %arg20[%parallel_loop3A_322], %parallel_loop3A_319 {strides = array<i32>} : memref<12800xf32, #tpu.memory_space<vmem>>, vector<16xf32>,
        %parallel_loop3A_324 = arith.constant 16 : i32
        %parallel_loop3A_325 = arith.addi %parallel_loop3A_313, %parallel_loop3A_324 : i32
        %parallel_loop3A_326 = arith.index_cast %parallel_loop3A_325 : i32 to index
        %parallel_loop3A_327 = tpu.vector_load %arg16[%parallel_loop3A_326] {strides = array<i32>} : memref<12864xf32, #tpu.memory_space<vmem>>, vector<16xf32>,
        %parallel_loop3A_328 = arith.constant 16 : i32
        %parallel_loop3A_329 = arith.addi %parallel_loop3A_315, %parallel_loop3A_328 : i32
        %parallel_loop3A_330 = arith.index_cast %parallel_loop3A_329 : i32 to index
        %parallel_loop3A_331 = tpu.vector_load %arg20[%parallel_loop3A_330] {strides = array<i32>} : memref<12800xf32, #tpu.memory_space<vmem>>, vector<16xf32>,
        tpu.vector_store %arg20[%parallel_loop3A_330], %parallel_loop3A_327 {strides = array<i32>} : memref<12800xf32, #tpu.memory_space<vmem>>, vector<16xf32>,
        %parallel_loop3A_332 = arith.constant 32 : i32
        %parallel_loop3A_333 = arith.addi %parallel_loop3A_313, %parallel_loop3A_332 : i32
        %parallel_loop3A_334 = arith.index_cast %parallel_loop3A_333 : i32 to index
        %parallel_loop3A_335 = tpu.vector_load %arg16[%parallel_loop3A_334] {strides = array<i32>} : memref<12864xf32, #tpu.memory_space<vmem>>, vector<16xf32>,
        %parallel_loop3A_336 = arith.constant 32 : i32
        %parallel_loop3A_337 = arith.addi %parallel_loop3A_315, %parallel_loop3A_336 : i32
        %parallel_loop3A_338 = arith.index_cast %parallel_loop3A_337 : i32 to index
        %parallel_loop3A_339 = tpu.vector_load %arg20[%parallel_loop3A_338] {strides = array<i32>} : memref<12800xf32, #tpu.memory_space<vmem>>, vector<16xf32>,
        tpu.vector_store %arg20[%parallel_loop3A_338], %parallel_loop3A_335 {strides = array<i32>} : memref<12800xf32, #tpu.memory_space<vmem>>, vector<16xf32>,
        %parallel_loop3A_340 = arith.constant 48 : i32
        %parallel_loop3A_341 = arith.addi %parallel_loop3A_313, %parallel_loop3A_340 : i32
        %parallel_loop3A_342 = arith.index_cast %parallel_loop3A_341 : i32 to index
        %parallel_loop3A_343 = tpu.vector_load %arg16[%parallel_loop3A_342] {strides = array<i32>} : memref<12864xf32, #tpu.memory_space<vmem>>, vector<16xf32>,
        %parallel_loop3A_344 = arith.constant 48 : i32
        %parallel_loop3A_345 = arith.addi %parallel_loop3A_315, %parallel_loop3A_344 : i32
        %parallel_loop3A_346 = arith.index_cast %parallel_loop3A_345 : i32 to index
        %parallel_loop3A_347 = tpu.vector_load %arg20[%parallel_loop3A_346] {strides = array<i32>} : memref<12800xf32, #tpu.memory_space<vmem>>, vector<16xf32>,
        tpu.vector_store %arg20[%parallel_loop3A_346], %parallel_loop3A_343 {strides = array<i32>} : memref<12800xf32, #tpu.memory_space<vmem>>, vector<16xf32>,
      } {sc.loop_unroll_factor = 8 : i64, sc.parallel_access}
      %mul3A_194 = arith.constant 12800 : i32
      %mul3A_195 = arith.muli %add3A_152, %mul3A_194 : i32
      %add3A_196 = arith.addi %mul3A_8, %mul3A_195 : i32
      %dma_start3A_197 = tpu.memref_slice %arg6[%add3A_196] : memref<52428800xf32, #tpu.memory_space<hbm>> -> memref<12800xf32, #tpu.memory_space<hbm>>
      %dma_start3A_198 = tpu.memref_slice %arg6[%add3A_196] : memref<52428800xf32, #tpu.memory_space<hbm>> -> memref<12800xf32, #tpu.memory_space<hbm>>
      tpu.enqueue_dma source(%arg20 : memref<12800xf32, #tpu.memory_space<vmem>>) target(%dma_start3A_198 : memref<12800xf32, #tpu.memory_space<hbm>>) target_semaphore(%arg28 : memref<!tpu.dma_semaphore, #tpu.memory_space<semaphore_mem>>)
      %mul3A_199 = arith.constant 4 : i32
      %mul3A_200 = arith.muli %scan3A_104, %mul3A_199 : i32
      %add3A_201 = arith.constant 2 : i32
      %add3A_202 = arith.addi %mul3A_200, %add3A_201 : i32
      %add3A_203 = arith.constant 4 : i32
      %add3A_204 = arith.addi %add3A_202, %add3A_203 : i32
      %sub3A_205 = arith.constant 1 : i32
      %sub3A_206 = arith.subi %add3A_204, %sub3A_205 : i32
      %lt3A_207 = arith.constant 128 : i32
      %lt3A_208 = arith.cmpi slt, %sub3A_206, %lt3A_207 : i32
      %convert_element_type3A_209 = arith.extui %lt3A_208 : i1 to i32
      %cond3A_210 = arith.constant 0 : i32
      %cond3A_211 = arith.cmpi ne, %convert_element_type3A_209, %cond3A_210 : i32
      scf.if %cond3A_211 {
        %add3A_299 = arith.constant 4 : i32
        %add3A_300 = arith.addi %add3A_202, %add3A_299 : i32
        %sub3A_301 = arith.constant 1 : i32
        %sub3A_302 = arith.subi %add3A_300, %sub3A_301 : i32
        %mul3A_303 = arith.constant 12800 : i32
        %mul3A_304 = arith.muli %sub3A_302, %mul3A_303 : i32
        %add3A_305 = arith.addi %mul3A_4, %mul3A_304 : i32
        %dma_start3A_306 = arith.constant 0 : i32
        %dma_start3A_307 = tpu.memref_slice %arg16[%dma_start3A_306] : memref<12864xf32, #tpu.memory_space<vmem>> -> memref<12800xf32, #tpu.memory_space<vmem>>
        %dma_start3A_308 = tpu.memref_slice %arg2[%add3A_305] : memref<52428800xf32, #tpu.memory_space<hbm>> -> memref<12800xf32, #tpu.memory_space<hbm>>
        %dma_start3A_309 = arith.constant 0 : i32
        %dma_start3A_310 = tpu.memref_slice %arg16[%dma_start3A_309] : memref<12864xf32, #tpu.memory_space<vmem>> -> memref<12800xf32, #tpu.memory_space<vmem>>
        %dma_start3A_311 = tpu.memref_slice %arg2[%add3A_305] : memref<52428800xf32, #tpu.memory_space<hbm>> -> memref<12800xf32, #tpu.memory_space<hbm>>
        tpu.enqueue_dma source(%dma_start3A_311 : memref<12800xf32, #tpu.memory_space<hbm>>) target(%dma_start3A_310 : memref<12800xf32, #tpu.memory_space<vmem>>) target_semaphore(%arg24 : memref<!tpu.dma_semaphore, #tpu.memory_space<semaphore_mem>>)
        %mul3A_312 = arith.constant 200 : i32
        %mul3A_313 = arith.muli %sub3A_302, %mul3A_312 : i32
        %add3A_314 = arith.addi %mul3A_12, %mul3A_313 : i32
        %dma_start3A_315 = arith.constant 0 : i32
        %dma_start3A_316 = tpu.memref_slice %arg8[%dma_start3A_315] : memref<216xi32, #tpu.memory_space<vmem>> -> memref<200xi32, #tpu.memory_space<vmem>>
        %dma_start3A_317 = tpu.memref_slice %arg4[%add3A_314] : memref<819200xi32, #tpu.memory_space<hbm>> -> memref<200xi32, #tpu.memory_space<hbm>>
        %dma_start3A_318 = arith.constant 0 : i32
        %dma_start3A_319 = tpu.memref_slice %arg8[%dma_start3A_318] : memref<216xi32, #tpu.memory_space<vmem>> -> memref<200xi32, #tpu.memory_space<vmem>>
        %dma_start3A_320 = tpu.memref_slice %arg4[%add3A_314] : memref<819200xi32, #tpu.memory_space<hbm>> -> memref<200xi32, #tpu.memory_space<hbm>>
        tpu.enqueue_dma source(%dma_start3A_320 : memref<200xi32, #tpu.memory_space<hbm>>) target(%dma_start3A_319 : memref<200xi32, #tpu.memory_space<vmem>>) target_semaphore(%arg24 : memref<!tpu.dma_semaphore, #tpu.memory_space<semaphore_mem>>)
        %mul3A_321 = arith.constant 200 : i32
        %mul3A_322 = arith.muli %sub3A_302, %mul3A_321 : i32
        %add3A_323 = arith.addi %mul3A_12, %mul3A_322 : i32
        %dma_start3A_324 = arith.constant 0 : i32
        %dma_start3A_325 = tpu.memref_slice %arg12[%dma_start3A_324] : memref<216xi32, #tpu.memory_space<vmem>> -> memref<200xi32, #tpu.memory_space<vmem>>
        %dma_start3A_326 = tpu.memref_slice %arg5[%add3A_323] : memref<819200xi32, #tpu.memory_space<hbm>> -> memref<200xi32, #tpu.memory_space<hbm>>
        %dma_start3A_327 = arith.constant 0 : i32
        %dma_start3A_328 = tpu.memref_slice %arg12[%dma_start3A_327] : memref<216xi32, #tpu.memory_space<vmem>> -> memref<200xi32, #tpu.memory_space<vmem>>
        %dma_start3A_329 = tpu.memref_slice %arg5[%add3A_323] : memref<819200xi32, #tpu.memory_space<hbm>> -> memref<200xi32, #tpu.memory_space<hbm>>
        tpu.enqueue_dma source(%dma_start3A_329 : memref<200xi32, #tpu.memory_space<hbm>>) target(%dma_start3A_328 : memref<200xi32, #tpu.memory_space<vmem>>) target_semaphore(%arg24 : memref<!tpu.dma_semaphore, #tpu.memory_space<semaphore_mem>>)
      } else {
      }
      %dma_wait3A_212 = arith.constant 0 : i32
      %dma_wait3A_213 = tpu.memref_slice %arg17[%dma_wait3A_212] : memref<12864xf32, #tpu.memory_space<vmem>> -> memref<12800xf32, #tpu.memory_space<vmem>>
      %dma_wait3A_214 = arith.constant 0 : i32
      %dma_wait3A_215 = tpu.memref_slice %arg2[%dma_wait3A_214] : memref<52428800xf32, #tpu.memory_space<hbm>> -> memref<12800xf32, #tpu.memory_space<hbm>>
      %dma_wait3A_216 = arith.constant 0 : i32
      %dma_wait3A_217 = tpu.memref_slice %arg17[%dma_wait3A_216] : memref<12864xf32, #tpu.memory_space<vmem>> -> memref<12800xf32, #tpu.memory_space<vmem>>
      %dma_wait3A_218 = arith.constant 0 : i32
      %dma_wait3A_219 = tpu.memref_slice %arg2[%dma_wait3A_218] : memref<52428800xf32, #tpu.memory_space<hbm>> -> memref<12800xf32, #tpu.memory_space<hbm>>
      tpu.wait_dma2 semaphore(%arg25 : memref<!tpu.dma_semaphore, #tpu.memory_space<semaphore_mem>>) src(%dma_wait3A_219 : memref<12800xf32, #tpu.memory_space<hbm>>) dst(%dma_wait3A_217 : memref<12800xf32, #tpu.memory_space<vmem>>)
      %dma_wait3A_220 = arith.constant 0 : i32
      %dma_wait3A_221 = tpu.memref_slice %arg9[%dma_wait3A_220] : memref<216xi32, #tpu.memory_space<vmem>> -> memref<200xi32, #tpu.memory_space<vmem>>
      %dma_wait3A_222 = arith.constant 0 : i32
      %dma_wait3A_223 = tpu.memref_slice %arg4[%dma_wait3A_222] : memref<819200xi32, #tpu.memory_space<hbm>> -> memref<200xi32, #tpu.memory_space<hbm>>
      %dma_wait3A_224 = arith.constant 0 : i32
      %dma_wait3A_225 = tpu.memref_slice %arg9[%dma_wait3A_224] : memref<216xi32, #tpu.memory_space<vmem>> -> memref<200xi32, #tpu.memory_space<vmem>>
      %dma_wait3A_226 = arith.constant 0 : i32
      %dma_wait3A_227 = tpu.memref_slice %arg4[%dma_wait3A_226] : memref<819200xi32, #tpu.memory_space<hbm>> -> memref<200xi32, #tpu.memory_space<hbm>>
      tpu.wait_dma2 semaphore(%arg25 : memref<!tpu.dma_semaphore, #tpu.memory_space<semaphore_mem>>) src(%dma_wait3A_227 : memref<200xi32, #tpu.memory_space<hbm>>) dst(%dma_wait3A_225 : memref<200xi32, #tpu.memory_space<vmem>>)
      %dma_wait3A_228 = arith.constant 0 : i32
      %dma_wait3A_229 = tpu.memref_slice %arg13[%dma_wait3A_228] : memref<216xi32, #tpu.memory_space<vmem>> -> memref<200xi32, #tpu.memory_space<vmem>>
      %dma_wait3A_230 = arith.constant 0 : i32
      %dma_wait3A_231 = tpu.memref_slice %arg5[%dma_wait3A_230] : memref<819200xi32, #tpu.memory_space<hbm>> -> memref<200xi32, #tpu.memory_space<hbm>>
      %dma_wait3A_232 = arith.constant 0 : i32
      %dma_wait3A_233 = tpu.memref_slice %arg13[%dma_wait3A_232] : memref<216xi32, #tpu.memory_space<vmem>> -> memref<200xi32, #tpu.memory_space<vmem>>
      %dma_wait3A_234 = arith.constant 0 : i32
      %dma_wait3A_235 = tpu.memref_slice %arg5[%dma_wait3A_234] : memref<819200xi32, #tpu.memory_space<hbm>> -> memref<200xi32, #tpu.memory_space<hbm>>
      tpu.wait_dma2 semaphore(%arg25 : memref<!tpu.dma_semaphore, #tpu.memory_space<semaphore_mem>>) src(%dma_wait3A_235 : memref<200xi32, #tpu.memory_space<hbm>>) dst(%dma_wait3A_233 : memref<200xi32, #tpu.memory_space<vmem>>)
      %ge3A_236 = arith.constant 4 : i32
      %ge3A_237 = arith.cmpi sge, %add3A_202, %ge3A_236 : i32
      %convert_element_type3A_238 = arith.extui %ge3A_237 : i1 to i32
      %cond3A_239 = arith.constant 0 : i32
      %cond3A_240 = arith.cmpi ne, %convert_element_type3A_238, %cond3A_239 : i32
      scf.if %cond3A_240 {
        %dma_wait3A_299 = arith.constant 0 : i32
        %dma_wait3A_300 = tpu.memref_slice %arg6[%dma_wait3A_299] : memref<52428800xf32, #tpu.memory_space<hbm>> -> memref<12800xf32, #tpu.memory_space<hbm>>
        %dma_wait3A_301 = arith.constant 0 : i32
        %dma_wait3A_302 = tpu.memref_slice %arg6[%dma_wait3A_301] : memref<52428800xf32, #tpu.memory_space<hbm>> -> memref<12800xf32, #tpu.memory_space<hbm>>
        tpu.wait_dma2 semaphore(%arg29 : memref<!tpu.dma_semaphore, #tpu.memory_space<semaphore_mem>>) src(%arg21 : memref<12800xf32, #tpu.memory_space<vmem>>) dst(%dma_wait3A_302 : memref<12800xf32, #tpu.memory_space<hbm>>)
      } else {
      }
      %parallel_loop3A_241 = arith.constant 0 : i32
      %parallel_loop3A_242 = arith.constant 200 : i32
      %parallel_loop3A_243 = arith.constant 1 : i32
      scf.for %parallel_loop3A_299 = %parallel_loop3A_241 to %parallel_loop3A_242 step %parallel_loop3A_243  : i32 {
        %parallel_loop3A_300 = arith.index_cast %parallel_loop3A_299 : i32 to index
        %parallel_loop3A_301 = tpu.vector_load %arg9[%parallel_loop3A_300] {strides = array<i32>} : memref<216xi32, #tpu.memory_space<vmem>>, vector<16xi32>,
        %parallel_loop3A_302 = vector.extract_strided_slice %parallel_loop3A_301 {offsets = [0], sizes = [1], strides = [1]} : vector<16xi32> to vector<1xi32>
        %parallel_loop3A_303 = vector.extract %parallel_loop3A_302[0] : i32 from vector<1xi32>
        %parallel_loop3A_304 = arith.index_cast %parallel_loop3A_299 : i32 to index
        %parallel_loop3A_305 = tpu.vector_load %arg13[%parallel_loop3A_304] {strides = array<i32>} : memref<216xi32, #tpu.memory_space<vmem>>, vector<16xi32>,
        %parallel_loop3A_306 = vector.extract_strided_slice %parallel_loop3A_305 {offsets = [0], sizes = [1], strides = [1]} : vector<16xi32> to vector<1xi32>
        %parallel_loop3A_307 = vector.extract %parallel_loop3A_306[0] : i32 from vector<1xi32>
        %parallel_loop3A_308 = arith.constant 0 : i32
        %parallel_loop3A_309 = arith.cmpi ne, %parallel_loop3A_307, %parallel_loop3A_308 : i32
        %parallel_loop3A_310 = arith.constant 200 : i32
        %parallel_loop3A_311 = arith.select %parallel_loop3A_309, %parallel_loop3A_303, %parallel_loop3A_310 : i32
        %parallel_loop3A_312 = arith.constant 6 : i32
        %parallel_loop3A_313 = arith.shli %parallel_loop3A_311, %parallel_loop3A_312 : i32
        %parallel_loop3A_314 = arith.constant 6 : i32
        %parallel_loop3A_315 = arith.shli %parallel_loop3A_299, %parallel_loop3A_314 : i32
        %parallel_loop3A_316 = arith.constant 0 : i32
        %parallel_loop3A_317 = arith.addi %parallel_loop3A_313, %parallel_loop3A_316 : i32
        %parallel_loop3A_318 = arith.index_cast %parallel_loop3A_317 : i32 to index
        %parallel_loop3A_319 = tpu.vector_load %arg17[%parallel_loop3A_318] {strides = array<i32>} : memref<12864xf32, #tpu.memory_space<vmem>>, vector<16xf32>,
        %parallel_loop3A_320 = arith.constant 0 : i32
        %parallel_loop3A_321 = arith.addi %parallel_loop3A_315, %parallel_loop3A_320 : i32
        %parallel_loop3A_322 = arith.index_cast %parallel_loop3A_321 : i32 to index
        %parallel_loop3A_323 = tpu.vector_load %arg21[%parallel_loop3A_322] {strides = array<i32>} : memref<12800xf32, #tpu.memory_space<vmem>>, vector<16xf32>,
        tpu.vector_store %arg21[%parallel_loop3A_322], %parallel_loop3A_319 {strides = array<i32>} : memref<12800xf32, #tpu.memory_space<vmem>>, vector<16xf32>,
        %parallel_loop3A_324 = arith.constant 16 : i32
        %parallel_loop3A_325 = arith.addi %parallel_loop3A_313, %parallel_loop3A_324 : i32
        %parallel_loop3A_326 = arith.index_cast %parallel_loop3A_325 : i32 to index
        %parallel_loop3A_327 = tpu.vector_load %arg17[%parallel_loop3A_326] {strides = array<i32>} : memref<12864xf32, #tpu.memory_space<vmem>>, vector<16xf32>,
        %parallel_loop3A_328 = arith.constant 16 : i32
        %parallel_loop3A_329 = arith.addi %parallel_loop3A_315, %parallel_loop3A_328 : i32
        %parallel_loop3A_330 = arith.index_cast %parallel_loop3A_329 : i32 to index
        %parallel_loop3A_331 = tpu.vector_load %arg21[%parallel_loop3A_330] {strides = array<i32>} : memref<12800xf32, #tpu.memory_space<vmem>>, vector<16xf32>,
        tpu.vector_store %arg21[%parallel_loop3A_330], %parallel_loop3A_327 {strides = array<i32>} : memref<12800xf32, #tpu.memory_space<vmem>>, vector<16xf32>,
        %parallel_loop3A_332 = arith.constant 32 : i32
        %parallel_loop3A_333 = arith.addi %parallel_loop3A_313, %parallel_loop3A_332 : i32
        %parallel_loop3A_334 = arith.index_cast %parallel_loop3A_333 : i32 to index
        %parallel_loop3A_335 = tpu.vector_load %arg17[%parallel_loop3A_334] {strides = array<i32>} : memref<12864xf32, #tpu.memory_space<vmem>>, vector<16xf32>,
        %parallel_loop3A_336 = arith.constant 32 : i32
        %parallel_loop3A_337 = arith.addi %parallel_loop3A_315, %parallel_loop3A_336 : i32
        %parallel_loop3A_338 = arith.index_cast %parallel_loop3A_337 : i32 to index
        %parallel_loop3A_339 = tpu.vector_load %arg21[%parallel_loop3A_338] {strides = array<i32>} : memref<12800xf32, #tpu.memory_space<vmem>>, vector<16xf32>,
        tpu.vector_store %arg21[%parallel_loop3A_338], %parallel_loop3A_335 {strides = array<i32>} : memref<12800xf32, #tpu.memory_space<vmem>>, vector<16xf32>,
        %parallel_loop3A_340 = arith.constant 48 : i32
        %parallel_loop3A_341 = arith.addi %parallel_loop3A_313, %parallel_loop3A_340 : i32
        %parallel_loop3A_342 = arith.index_cast %parallel_loop3A_341 : i32 to index
        %parallel_loop3A_343 = tpu.vector_load %arg17[%parallel_loop3A_342] {strides = array<i32>} : memref<12864xf32, #tpu.memory_space<vmem>>, vector<16xf32>,
        %parallel_loop3A_344 = arith.constant 48 : i32
        %parallel_loop3A_345 = arith.addi %parallel_loop3A_315, %parallel_loop3A_344 : i32
        %parallel_loop3A_346 = arith.index_cast %parallel_loop3A_345 : i32 to index
        %parallel_loop3A_347 = tpu.vector_load %arg21[%parallel_loop3A_346] {strides = array<i32>} : memref<12800xf32, #tpu.memory_space<vmem>>, vector<16xf32>,
        tpu.vector_store %arg21[%parallel_loop3A_346], %parallel_loop3A_343 {strides = array<i32>} : memref<12800xf32, #tpu.memory_space<vmem>>, vector<16xf32>,
      } {sc.loop_unroll_factor = 8 : i64, sc.parallel_access}
      %mul3A_244 = arith.constant 12800 : i32
      %mul3A_245 = arith.muli %add3A_202, %mul3A_244 : i32
      %add3A_246 = arith.addi %mul3A_8, %mul3A_245 : i32
      %dma_start3A_247 = tpu.memref_slice %arg6[%add3A_246] : memref<52428800xf32, #tpu.memory_space<hbm>> -> memref<12800xf32, #tpu.memory_space<hbm>>
      %dma_start3A_248 = tpu.memref_slice %arg6[%add3A_246] : memref<52428800xf32, #tpu.memory_space<hbm>> -> memref<12800xf32, #tpu.memory_space<hbm>>
      tpu.enqueue_dma source(%arg21 : memref<12800xf32, #tpu.memory_space<vmem>>) target(%dma_start3A_248 : memref<12800xf32, #tpu.memory_space<hbm>>) target_semaphore(%arg29 : memref<!tpu.dma_semaphore, #tpu.memory_space<semaphore_mem>>)
      %mul3A_249 = arith.constant 4 : i32
      %mul3A_250 = arith.muli %scan3A_104, %mul3A_249 : i32
      %add3A_251 = arith.constant 3 : i32
      %add3A_252 = arith.addi %mul3A_250, %add3A_251 : i32
      %add3A_253 = arith.constant 4 : i32
      %add3A_254 = arith.addi %add3A_252, %add3A_253 : i32
      %sub3A_255 = arith.constant 1 : i32
      %sub3A_256 = arith.subi %add3A_254, %sub3A_255 : i32
      %lt3A_257 = arith.constant 128 : i32
      %lt3A_258 = arith.cmpi slt, %sub3A_256, %lt3A_257 : i32
      %convert_element_type3A_259 = arith.extui %lt3A_258 : i1 to i32
      %cond3A_260 = arith.constant 0 : i32
      %cond3A_261 = arith.cmpi ne, %convert_element_type3A_259, %cond3A_260 : i32
      scf.if %cond3A_261 {
        %add3A_299 = arith.constant 4 : i32
        %add3A_300 = arith.addi %add3A_252, %add3A_299 : i32
        %sub3A_301 = arith.constant 1 : i32
        %sub3A_302 = arith.subi %add3A_300, %sub3A_301 : i32
        %mul3A_303 = arith.constant 12800 : i32
        %mul3A_304 = arith.muli %sub3A_302, %mul3A_303 : i32
        %add3A_305 = arith.addi %mul3A_4, %mul3A_304 : i32
        %dma_start3A_306 = arith.constant 0 : i32
        %dma_start3A_307 = tpu.memref_slice %arg17[%dma_start3A_306] : memref<12864xf32, #tpu.memory_space<vmem>> -> memref<12800xf32, #tpu.memory_space<vmem>>
        %dma_start3A_308 = tpu.memref_slice %arg2[%add3A_305] : memref<52428800xf32, #tpu.memory_space<hbm>> -> memref<12800xf32, #tpu.memory_space<hbm>>
        %dma_start3A_309 = arith.constant 0 : i32
        %dma_start3A_310 = tpu.memref_slice %arg17[%dma_start3A_309] : memref<12864xf32, #tpu.memory_space<vmem>> -> memref<12800xf32, #tpu.memory_space<vmem>>
        %dma_start3A_311 = tpu.memref_slice %arg2[%add3A_305] : memref<52428800xf32, #tpu.memory_space<hbm>> -> memref<12800xf32, #tpu.memory_space<hbm>>
        tpu.enqueue_dma source(%dma_start3A_311 : memref<12800xf32, #tpu.memory_space<hbm>>) target(%dma_start3A_310 : memref<12800xf32, #tpu.memory_space<vmem>>) target_semaphore(%arg25 : memref<!tpu.dma_semaphore, #tpu.memory_space<semaphore_mem>>)
        %mul3A_312 = arith.constant 200 : i32
        %mul3A_313 = arith.muli %sub3A_302, %mul3A_312 : i32
        %add3A_314 = arith.addi %mul3A_12, %mul3A_313 : i32
        %dma_start3A_315 = arith.constant 0 : i32
        %dma_start3A_316 = tpu.memref_slice %arg9[%dma_start3A_315] : memref<216xi32, #tpu.memory_space<vmem>> -> memref<200xi32, #tpu.memory_space<vmem>>
        %dma_start3A_317 = tpu.memref_slice %arg4[%add3A_314] : memref<819200xi32, #tpu.memory_space<hbm>> -> memref<200xi32, #tpu.memory_space<hbm>>
        %dma_start3A_318 = arith.constant 0 : i32
        %dma_start3A_319 = tpu.memref_slice %arg9[%dma_start3A_318] : memref<216xi32, #tpu.memory_space<vmem>> -> memref<200xi32, #tpu.memory_space<vmem>>
        %dma_start3A_320 = tpu.memref_slice %arg4[%add3A_314] : memref<819200xi32, #tpu.memory_space<hbm>> -> memref<200xi32, #tpu.memory_space<hbm>>
        tpu.enqueue_dma source(%dma_start3A_320 : memref<200xi32, #tpu.memory_space<hbm>>) target(%dma_start3A_319 : memref<200xi32, #tpu.memory_space<vmem>>) target_semaphore(%arg25 : memref<!tpu.dma_semaphore, #tpu.memory_space<semaphore_mem>>)
        %mul3A_321 = arith.constant 200 : i32
        %mul3A_322 = arith.muli %sub3A_302, %mul3A_321 : i32
        %add3A_323 = arith.addi %mul3A_12, %mul3A_322 : i32
        %dma_start3A_324 = arith.constant 0 : i32
        %dma_start3A_325 = tpu.memref_slice %arg13[%dma_start3A_324] : memref<216xi32, #tpu.memory_space<vmem>> -> memref<200xi32, #tpu.memory_space<vmem>>
        %dma_start3A_326 = tpu.memref_slice %arg5[%add3A_323] : memref<819200xi32, #tpu.memory_space<hbm>> -> memref<200xi32, #tpu.memory_space<hbm>>
        %dma_start3A_327 = arith.constant 0 : i32
        %dma_start3A_328 = tpu.memref_slice %arg13[%dma_start3A_327] : memref<216xi32, #tpu.memory_space<vmem>> -> memref<200xi32, #tpu.memory_space<vmem>>
        %dma_start3A_329 = tpu.memref_slice %arg5[%add3A_323] : memref<819200xi32, #tpu.memory_space<hbm>> -> memref<200xi32, #tpu.memory_space<hbm>>
        tpu.enqueue_dma source(%dma_start3A_329 : memref<200xi32, #tpu.memory_space<hbm>>) target(%dma_start3A_328 : memref<200xi32, #tpu.memory_space<vmem>>) target_semaphore(%arg25 : memref<!tpu.dma_semaphore, #tpu.memory_space<semaphore_mem>>)
      } else {
      }
      %dma_wait3A_262 = arith.constant 0 : i32
      %dma_wait3A_263 = tpu.memref_slice %arg18[%dma_wait3A_262] : memref<12864xf32, #tpu.memory_space<vmem>> -> memref<12800xf32, #tpu.memory_space<vmem>>
      %dma_wait3A_264 = arith.constant 0 : i32
      %dma_wait3A_265 = tpu.memref_slice %arg2[%dma_wait3A_264] : memref<52428800xf32, #tpu.memory_space<hbm>> -> memref<12800xf32, #tpu.memory_space<hbm>>
      %dma_wait3A_266 = arith.constant 0 : i32
      %dma_wait3A_267 = tpu.memref_slice %arg18[%dma_wait3A_266] : memref<12864xf32, #tpu.memory_space<vmem>> -> memref<12800xf32, #tpu.memory_space<vmem>>
      %dma_wait3A_268 = arith.constant 0 : i32
      %dma_wait3A_269 = tpu.memref_slice %arg2[%dma_wait3A_268] : memref<52428800xf32, #tpu.memory_space<hbm>> -> memref<12800xf32, #tpu.memory_space<hbm>>
      tpu.wait_dma2 semaphore(%arg26 : memref<!tpu.dma_semaphore, #tpu.memory_space<semaphore_mem>>) src(%dma_wait3A_269 : memref<12800xf32, #tpu.memory_space<hbm>>) dst(%dma_wait3A_267 : memref<12800xf32, #tpu.memory_space<vmem>>)
      %dma_wait3A_270 = arith.constant 0 : i32
      %dma_wait3A_271 = tpu.memref_slice %arg10[%dma_wait3A_270] : memref<216xi32, #tpu.memory_space<vmem>> -> memref<200xi32, #tpu.memory_space<vmem>>
      %dma_wait3A_272 = arith.constant 0 : i32
      %dma_wait3A_273 = tpu.memref_slice %arg4[%dma_wait3A_272] : memref<819200xi32, #tpu.memory_space<hbm>> -> memref<200xi32, #tpu.memory_space<hbm>>
      %dma_wait3A_274 = arith.constant 0 : i32
      %dma_wait3A_275 = tpu.memref_slice %arg10[%dma_wait3A_274] : memref<216xi32, #tpu.memory_space<vmem>> -> memref<200xi32, #tpu.memory_space<vmem>>
      %dma_wait3A_276 = arith.constant 0 : i32
      %dma_wait3A_277 = tpu.memref_slice %arg4[%dma_wait3A_276] : memref<819200xi32, #tpu.memory_space<hbm>> -> memref<200xi32, #tpu.memory_space<hbm>>
      tpu.wait_dma2 semaphore(%arg26 : memref<!tpu.dma_semaphore, #tpu.memory_space<semaphore_mem>>) src(%dma_wait3A_277 : memref<200xi32, #tpu.memory_space<hbm>>) dst(%dma_wait3A_275 : memref<200xi32, #tpu.memory_space<vmem>>)
      %dma_wait3A_278 = arith.constant 0 : i32
      %dma_wait3A_279 = tpu.memref_slice %arg14[%dma_wait3A_278] : memref<216xi32, #tpu.memory_space<vmem>> -> memref<200xi32, #tpu.memory_space<vmem>>
      %dma_wait3A_280 = arith.constant 0 : i32
      %dma_wait3A_281 = tpu.memref_slice %arg5[%dma_wait3A_280] : memref<819200xi32, #tpu.memory_space<hbm>> -> memref<200xi32, #tpu.memory_space<hbm>>
      %dma_wait3A_282 = arith.constant 0 : i32
      %dma_wait3A_283 = tpu.memref_slice %arg14[%dma_wait3A_282] : memref<216xi32, #tpu.memory_space<vmem>> -> memref<200xi32, #tpu.memory_space<vmem>>
      %dma_wait3A_284 = arith.constant 0 : i32
      %dma_wait3A_285 = tpu.memref_slice %arg5[%dma_wait3A_284] : memref<819200xi32, #tpu.memory_space<hbm>> -> memref<200xi32, #tpu.memory_space<hbm>>
      tpu.wait_dma2 semaphore(%arg26 : memref<!tpu.dma_semaphore, #tpu.memory_space<semaphore_mem>>) src(%dma_wait3A_285 : memref<200xi32, #tpu.memory_space<hbm>>) dst(%dma_wait3A_283 : memref<200xi32, #tpu.memory_space<vmem>>)
      %ge3A_286 = arith.constant 4 : i32
      %ge3A_287 = arith.cmpi sge, %add3A_252, %ge3A_286 : i32
      %convert_element_type3A_288 = arith.extui %ge3A_287 : i1 to i32
      %cond3A_289 = arith.constant 0 : i32
      %cond3A_290 = arith.cmpi ne, %convert_element_type3A_288, %cond3A_289 : i32
      scf.if %cond3A_290 {
        %dma_wait3A_299 = arith.constant 0 : i32
        %dma_wait3A_300 = tpu.memref_slice %arg6[%dma_wait3A_299] : memref<52428800xf32, #tpu.memory_space<hbm>> -> memref<12800xf32, #tpu.memory_space<hbm>>
        %dma_wait3A_301 = arith.constant 0 : i32
        %dma_wait3A_302 = tpu.memref_slice %arg6[%dma_wait3A_301] : memref<52428800xf32, #tpu.memory_space<hbm>> -> memref<12800xf32, #tpu.memory_space<hbm>>
        tpu.wait_dma2 semaphore(%arg30 : memref<!tpu.dma_semaphore, #tpu.memory_space<semaphore_mem>>) src(%arg22 : memref<12800xf32, #tpu.memory_space<vmem>>) dst(%dma_wait3A_302 : memref<12800xf32, #tpu.memory_space<hbm>>)
      } else {
      }
      %parallel_loop3A_291 = arith.constant 0 : i32
      %parallel_loop3A_292 = arith.constant 200 : i32
      %parallel_loop3A_293 = arith.constant 1 : i32
      scf.for %parallel_loop3A_299 = %parallel_loop3A_291 to %parallel_loop3A_292 step %parallel_loop3A_293  : i32 {
        %parallel_loop3A_300 = arith.index_cast %parallel_loop3A_299 : i32 to index
        %parallel_loop3A_301 = tpu.vector_load %arg10[%parallel_loop3A_300] {strides = array<i32>} : memref<216xi32, #tpu.memory_space<vmem>>, vector<16xi32>,
        %parallel_loop3A_302 = vector.extract_strided_slice %parallel_loop3A_301 {offsets = [0], sizes = [1], strides = [1]} : vector<16xi32> to vector<1xi32>
        %parallel_loop3A_303 = vector.extract %parallel_loop3A_302[0] : i32 from vector<1xi32>
        %parallel_loop3A_304 = arith.index_cast %parallel_loop3A_299 : i32 to index
        %parallel_loop3A_305 = tpu.vector_load %arg14[%parallel_loop3A_304] {strides = array<i32>} : memref<216xi32, #tpu.memory_space<vmem>>, vector<16xi32>,
        %parallel_loop3A_306 = vector.extract_strided_slice %parallel_loop3A_305 {offsets = [0], sizes = [1], strides = [1]} : vector<16xi32> to vector<1xi32>
        %parallel_loop3A_307 = vector.extract %parallel_loop3A_306[0] : i32 from vector<1xi32>
        %parallel_loop3A_308 = arith.constant 0 : i32
        %parallel_loop3A_309 = arith.cmpi ne, %parallel_loop3A_307, %parallel_loop3A_308 : i32
        %parallel_loop3A_310 = arith.constant 200 : i32
        %parallel_loop3A_311 = arith.select %parallel_loop3A_309, %parallel_loop3A_303, %parallel_loop3A_310 : i32
        %parallel_loop3A_312 = arith.constant 6 : i32
        %parallel_loop3A_313 = arith.shli %parallel_loop3A_311, %parallel_loop3A_312 : i32
        %parallel_loop3A_314 = arith.constant 6 : i32
        %parallel_loop3A_315 = arith.shli %parallel_loop3A_299, %parallel_loop3A_314 : i32
        %parallel_loop3A_316 = arith.constant 0 : i32
        %parallel_loop3A_317 = arith.addi %parallel_loop3A_313, %parallel_loop3A_316 : i32
        %parallel_loop3A_318 = arith.index_cast %parallel_loop3A_317 : i32 to index
        %parallel_loop3A_319 = tpu.vector_load %arg18[%parallel_loop3A_318] {strides = array<i32>} : memref<12864xf32, #tpu.memory_space<vmem>>, vector<16xf32>,
        %parallel_loop3A_320 = arith.constant 0 : i32
        %parallel_loop3A_321 = arith.addi %parallel_loop3A_315, %parallel_loop3A_320 : i32
        %parallel_loop3A_322 = arith.index_cast %parallel_loop3A_321 : i32 to index
        %parallel_loop3A_323 = tpu.vector_load %arg22[%parallel_loop3A_322] {strides = array<i32>} : memref<12800xf32, #tpu.memory_space<vmem>>, vector<16xf32>,
        tpu.vector_store %arg22[%parallel_loop3A_322], %parallel_loop3A_319 {strides = array<i32>} : memref<12800xf32, #tpu.memory_space<vmem>>, vector<16xf32>,
        %parallel_loop3A_324 = arith.constant 16 : i32
        %parallel_loop3A_325 = arith.addi %parallel_loop3A_313, %parallel_loop3A_324 : i32
        %parallel_loop3A_326 = arith.index_cast %parallel_loop3A_325 : i32 to index
        %parallel_loop3A_327 = tpu.vector_load %arg18[%parallel_loop3A_326] {strides = array<i32>} : memref<12864xf32, #tpu.memory_space<vmem>>, vector<16xf32>,
        %parallel_loop3A_328 = arith.constant 16 : i32
        %parallel_loop3A_329 = arith.addi %parallel_loop3A_315, %parallel_loop3A_328 : i32
        %parallel_loop3A_330 = arith.index_cast %parallel_loop3A_329 : i32 to index
        %parallel_loop3A_331 = tpu.vector_load %arg22[%parallel_loop3A_330] {strides = array<i32>} : memref<12800xf32, #tpu.memory_space<vmem>>, vector<16xf32>,
        tpu.vector_store %arg22[%parallel_loop3A_330], %parallel_loop3A_327 {strides = array<i32>} : memref<12800xf32, #tpu.memory_space<vmem>>, vector<16xf32>,
        %parallel_loop3A_332 = arith.constant 32 : i32
        %parallel_loop3A_333 = arith.addi %parallel_loop3A_313, %parallel_loop3A_332 : i32
        %parallel_loop3A_334 = arith.index_cast %parallel_loop3A_333 : i32 to index
        %parallel_loop3A_335 = tpu.vector_load %arg18[%parallel_loop3A_334] {strides = array<i32>} : memref<12864xf32, #tpu.memory_space<vmem>>, vector<16xf32>,
        %parallel_loop3A_336 = arith.constant 32 : i32
        %parallel_loop3A_337 = arith.addi %parallel_loop3A_315, %parallel_loop3A_336 : i32
        %parallel_loop3A_338 = arith.index_cast %parallel_loop3A_337 : i32 to index
        %parallel_loop3A_339 = tpu.vector_load %arg22[%parallel_loop3A_338] {strides = array<i32>} : memref<12800xf32, #tpu.memory_space<vmem>>, vector<16xf32>,
        tpu.vector_store %arg22[%parallel_loop3A_338], %parallel_loop3A_335 {strides = array<i32>} : memref<12800xf32, #tpu.memory_space<vmem>>, vector<16xf32>,
        %parallel_loop3A_340 = arith.constant 48 : i32
        %parallel_loop3A_341 = arith.addi %parallel_loop3A_313, %parallel_loop3A_340 : i32
        %parallel_loop3A_342 = arith.index_cast %parallel_loop3A_341 : i32 to index
        %parallel_loop3A_343 = tpu.vector_load %arg18[%parallel_loop3A_342] {strides = array<i32>} : memref<12864xf32, #tpu.memory_space<vmem>>, vector<16xf32>,
        %parallel_loop3A_344 = arith.constant 48 : i32
        %parallel_loop3A_345 = arith.addi %parallel_loop3A_315, %parallel_loop3A_344 : i32
        %parallel_loop3A_346 = arith.index_cast %parallel_loop3A_345 : i32 to index
        %parallel_loop3A_347 = tpu.vector_load %arg22[%parallel_loop3A_346] {strides = array<i32>} : memref<12800xf32, #tpu.memory_space<vmem>>, vector<16xf32>,
        tpu.vector_store %arg22[%parallel_loop3A_346], %parallel_loop3A_343 {strides = array<i32>} : memref<12800xf32, #tpu.memory_space<vmem>>, vector<16xf32>,
      } {sc.loop_unroll_factor = 8 : i64, sc.parallel_access}
      %mul3A_294 = arith.constant 12800 : i32
      %mul3A_295 = arith.muli %add3A_252, %mul3A_294 : i32
      %add3A_296 = arith.addi %mul3A_8, %mul3A_295 : i32
      %dma_start3A_297 = tpu.memref_slice %arg6[%add3A_296] : memref<52428800xf32, #tpu.memory_space<hbm>> -> memref<12800xf32, #tpu.memory_space<hbm>>
      %dma_start3A_298 = tpu.memref_slice %arg6[%add3A_296] : memref<52428800xf32, #tpu.memory_space<hbm>> -> memref<12800xf32, #tpu.memory_space<hbm>>
      tpu.enqueue_dma source(%arg22 : memref<12800xf32, #tpu.memory_space<vmem>>) target(%dma_start3A_298 : memref<12800xf32, #tpu.memory_space<hbm>>) target_semaphore(%arg30 : memref<!tpu.dma_semaphore, #tpu.memory_space<semaphore_mem>>)
    }
    %scan3A_88 = arith.constant 32 : i32
    %dma_wait3A = arith.constant 0 : i32
    %dma_wait3A_89 = tpu.memref_slice %arg6[%dma_wait3A] : memref<52428800xf32, #tpu.memory_space<hbm>> -> memref<12800xf32, #tpu.memory_space<hbm>>
    %dma_wait3A_90 = arith.constant 0 : i32
    %dma_wait3A_91 = tpu.memref_slice %arg6[%dma_wait3A_90] : memref<52428800xf32, #tpu.memory_space<hbm>> -> memref<12800xf32, #tpu.memory_space<hbm>>
    tpu.wait_dma2 semaphore(%arg27 : memref<!tpu.dma_semaphore, #tpu.memory_space<semaphore_mem>>) src(%arg19 : memref<12800xf32, #tpu.memory_space<vmem>>) dst(%dma_wait3A_91 : memref<12800xf32, #tpu.memory_space<hbm>>)
    %dma_wait3A_92 = arith.constant 0 : i32
    %dma_wait3A_93 = tpu.memref_slice %arg6[%dma_wait3A_92] : memref<52428800xf32, #tpu.memory_space<hbm>> -> memref<12800xf32, #tpu.memory_space<hbm>>
    %dma_wait3A_94 = arith.constant 0 : i32
    %dma_wait3A_95 = tpu.memref_slice %arg6[%dma_wait3A_94] : memref<52428800xf32, #tpu.memory_space<hbm>> -> memref<12800xf32, #tpu.memory_space<hbm>>
    tpu.wait_dma2 semaphore(%arg28 : memref<!tpu.dma_semaphore, #tpu.memory_space<semaphore_mem>>) src(%arg20 : memref<12800xf32, #tpu.memory_space<vmem>>) dst(%dma_wait3A_95 : memref<12800xf32, #tpu.memory_space<hbm>>)
    %dma_wait3A_96 = arith.constant 0 : i32
    %dma_wait3A_97 = tpu.memref_slice %arg6[%dma_wait3A_96] : memref<52428800xf32, #tpu.memory_space<hbm>> -> memref<12800xf32, #tpu.memory_space<hbm>>
    %dma_wait3A_98 = arith.constant 0 : i32
    %dma_wait3A_99 = tpu.memref_slice %arg6[%dma_wait3A_98] : memref<52428800xf32, #tpu.memory_space<hbm>> -> memref<12800xf32, #tpu.memory_space<hbm>>
    tpu.wait_dma2 semaphore(%arg29 : memref<!tpu.dma_semaphore, #tpu.memory_space<semaphore_mem>>) src(%arg21 : memref<12800xf32, #tpu.memory_space<vmem>>) dst(%dma_wait3A_99 : memref<12800xf32, #tpu.memory_space<hbm>>)
    %dma_wait3A_100 = arith.constant 0 : i32
    %dma_wait3A_101 = tpu.memref_slice %arg6[%dma_wait3A_100] : memref<52428800xf32, #tpu.memory_space<hbm>> -> memref<12800xf32, #tpu.memory_space<hbm>>
    %dma_wait3A_102 = arith.constant 0 : i32
    %dma_wait3A_103 = tpu.memref_slice %arg6[%dma_wait3A_102] : memref<52428800xf32, #tpu.memory_space<hbm>> -> memref<12800xf32, #tpu.memory_space<hbm>>
    tpu.wait_dma2 semaphore(%arg30 : memref<!tpu.dma_semaphore, #tpu.memory_space<semaphore_mem>>) src(%arg22 : memref<12800xf32, #tpu.memory_space<vmem>>) dst(%dma_wait3A_103 : memref<12800xf32, #tpu.memory_space<hbm>>)
    return
  }
}

</mosaic_0001>

<sc_bundles>
// kernel: _run.3.cloned.1.call-start
scs
__scs_entry_jumppad:
0x0: {  	(pc) =	sbr.rel $0x88, $3  }
0x1: {  	(tag) =	ssettag $0x0;
	lr =	simm.s32 $0x1  }
0x2: {  	[smem:$0x3F9D] =	sst lr;
	_ =	strace $0xD0000000  }
0x3: {  	_ = 	snop  }
0x4: {  	_ = 	snop  }
0x5: {  	_ = 	snop  }
0x6: {  	_ = 	snop  }
0x7: {  	_ = 	snop  }
__scs_overlays_trampoline_lowered:
0x8: {  	[smem:$0x3FAC] =	sst s0  }
0x9: {  	[smem:$0x3FAD] =	sst s1  }
0xa: {  	[smem:$0x3FAE] =	sst s2  }
0xb: {  	[smem:$0x3FAF] =	sst s3  }
0xc: {  	[smem:$0x3FB0] =	sst s4  }
0xd: {  	[smem:$0x3FB1] =	sst s5  }
0xe: {  	[smem:$0x3FB2] =	sst s6  }
0xf: {  	[smem:$0x3FB3] =	sst s7  }
0x10: {  	[smem:$0x3FB4] =	sst s8  }
0x11: {  	[smem:$0x3FB5] =	sst s9;
	s0 =	simm.s32 @!p0 $0x0  }
0x12: {  	s1 =	sld [smem:$0x3F9B];
	s0 =	simm.s32 @p0 $0x1  }
0x13: {  	[smem:$0x3FB6] =	sst s0;
	s0 =	simm.s32 @!p1 $0x0  }
0x14: {  	s2 =	sld [smem:$0x3F9A];
	s0 =	simm.s32 @p1 $0x1  }
0x15: {  	[smem:$0x3FB7] =	sst s0;
	s0 =	simm.s32 @!p2 $0x0  }
0x16: {  	s3 =	sld [smem:$0x3FDB];
	s0 =	simm.s32 @p2 $0x1  }
0x17: {  	s4 =	simm.s32 $0x1BF5;
	[smem:$0x3FB9] =	sst s0  }
0x18: {  	s0 =	sld [smem:$0x3F9C];
	_ =	swait.ge [sflag:s4], $0x0  }
0x19: {  	s7 =	sld [smem:$0x3F9D]  }
0x1a: {  	s8 =	sadd.s32 $0xFFFFE003, lr  }
0x1b: {  	s9 =	sadd.s32 $0xFFFFFEF7, lr;
	s5 =	simm.s32 $0xFFFFFFFF;
	p2 =	slt.u32 s8, $0xFFFFF086  }
0x1c: {  	p1 =	slt.u32 s9, $0xF7A;
	s5 =	simm.s32 @!p2 $0x0  }
0x1d: {  	s5 =	simm.s32 @p1 $0x1;
	p0 =	seq.s32 s7, s2  }
0x1e: {  	s7 =	smul.u32 @!p0 $0xF7A, s2;
	p2 =	seq.s32 @!p0 s5, $0x0  }
0x1f: {  	s9 =	smul.u32 $0xF7A, s1;
	s8 =	simm.s32 @!p0 $0x1BF5;
	p2 =	por !p2, p0  }
0x20: {  	[sflag:s8] =	ssyncset.s32 @!p0 $0xFFFFF086;
	s6 =	sadd.s32 @!p0 s3, s7;
	s7 =	simm.s32 @!p0 $0x108  }
0x21: {  	s3 =	sadd.s32 s3, s9;
	s6 =	sadd.s32 @!p0 $0x88, s6;
	s7 =	simm.s32 @p2 $0x1082  }
0x22: {  	[simem:s7], [sflag:s8] =	dma.local @!p0 [hbm:s6], $0xF7A  }
0x23: {  	s9 =	sor.u32 $0xD0000000, s2;
	s6 =	simm.s32 $0x108;
	_ =	swait.ge @!p0 [sflag:s8], $0x0  }
0x24: {  	s3 =	sadd.s32 $0x88, s3;
	s6 =	simm.s32 @!p1 $0x1082;
	[sflag:s4] =	ssyncset.s32 $0xFFFFF086  }
0x25: {  	[simem:s6], [sflag:s4] =	dma.local [hbm:s3], $0xF7A  }
0x26: {  	[smem:$0x3F9D] =	sst s1;
	(tag) =	ssettag s2;
	_ =	strace s9  }
0x27: {  	s1 =	sld [smem:$0x3FAD]  }
0x28: {  	s2 =	sld [smem:$0x3FAE]  }
0x29: {  	s4 =	sld [smem:$0x3FB0]  }
0x2a: {  	p0 =	seq.s32 s5, $0x0;
	s5 =	sld [smem:$0x3FB1]  }
0x2b: {  	s6 =	sld [smem:$0x3FB2]  }
0x2c: {  	s7 =	sld [smem:$0x3FB3]  }
0x2d: {  	s3 =	simm.s32 $0x108;
	s8 =	sld [smem:$0x3FB4]  }
0x2e: {  	s3 =	simm.s32 @!p0 $0x1082;
	s9 =	sld [smem:$0x3FB5]  }
0x2f: {  	lr =	sadd.s32 s0, s3;
	s0 =	sld [smem:$0x3FAC]  }
0x30: {  	s3 =	sld [smem:$0x3FAF]  }
0x31: {  	[smem:$0x3FB8] =	sst s10  }
0x32: {  	s10 =	sld [smem:$0x3FB6];
	_ =	sdelay $0x3  }
0x33: {  	p0 =	seq.s32 s10, $0x1;
	s10 =	sld [smem:$0x3FB8];
	_ =	sdelay $0x3  }
0x34: {  	[smem:$0x3FB8] =	sst s10  }
0x35: {  	s10 =	sld [smem:$0x3FB7];
	_ =	sdelay $0x3  }
0x36: {  	p1 =	seq.s32 s10, $0x1;
	s10 =	sld [smem:$0x3FB8];
	_ =	sdelay $0x3  }
0x37: {  	[smem:$0x3FB8] =	sst s10  }
0x38: {  	s10 =	sld [smem:$0x3FB9]  }
0x39: {  	_ = 	snop;
	(pc) =	sbr.ind lr, $3  }
0x3a: {  	_ = 	snop  }
0x3b: {  	_ = 	snop  }
0x3c: {  	p2 =	seq.s32 s10, $0x1;
	s10 =	sld [smem:$0x3FB8]  }
0x3d: {  	_ =	shalt  }
0x3e: {  	_ =	shalt  }
0x3f: {  	_ =	shalt  }
0x40: {  	_ =	shalt  }
0x41: {  	_ =	shalt  }
0x42: {  	_ =	shalt  }
0x43: {  	_ =	shalt  }
0x44: {  	_ =	shalt  }
0x45: {  	_ =	shalt  }
0x46: {  	_ =	shalt  }
0x47: {  	_ =	shalt  }
0x48: {  	_ =	shalt  }
0x49: {  	_ =	shalt  }
0x4a: {  	_ =	shalt  }
0x4b: {  	_ =	shalt  }
0x4c: {  	_ =	shalt  }
0x4d: {  	_ =	shalt  }
0x4e: {  	_ =	shalt  }
0x4f: {  	_ =	shalt  }
0x50: {  	_ =	shalt  }
0x51: {  	_ =	shalt  }
0x52: {  	_ =	shalt  }
0x53: {  	_ =	shalt  }
0x54: {  	_ =	shalt  }
0x55: {  	_ =	shalt  }
0x56: {  	_ =	shalt  }
0x57: {  	_ =	shalt  }
0x58: {  	_ =	shalt  }
0x59: {  	_ =	shalt  }
0x5a: {  	_ =	shalt  }
0x5b: {  	_ =	shalt  }
0x5c: {  	_ =	shalt  }
0x5d: {  	_ =	shalt  }
0x5e: {  	_ =	shalt  }
0x5f: {  	_ =	shalt  }
0x60: {  	_ =	shalt  }
0x61: {  	_ =	shalt  }
0x62: {  	_ =	shalt  }
0x63: {  	_ =	shalt  }
0x64: {  	_ =	shalt  }
0x65: {  	_ =	shalt  }
0x66: {  	_ =	shalt  }
0x67: {  	_ =	shalt  }
0x68: {  	_ =	shalt  }
0x69: {  	_ =	shalt  }
0x6a: {  	_ =	shalt  }
0x6b: {  	_ =	shalt  }
0x6c: {  	_ =	shalt  }
0x6d: {  	_ =	shalt  }
0x6e: {  	_ =	shalt  }
0x6f: {  	_ =	shalt  }
0x70: {  	_ =	shalt  }
0x71: {  	_ =	shalt  }
0x72: {  	_ =	shalt  }
0x73: {  	_ =	shalt  }
0x74: {  	_ =	shalt  }
0x75: {  	_ =	shalt  }
0x76: {  	_ =	shalt  }
0x77: {  	_ =	shalt  }
0x78: {  	_ =	shalt  }
0x79: {  	_ =	shalt  }
0x7a: {  	_ =	shalt  }
0x7b: {  	_ =	shalt  }
0x7c: {  	_ =	shalt  }
0x7d: {  	_ =	shalt  }
0x7e: {  	_ =	shalt  }
0x7f: {  	_ =	shalt  }
0x80: {  	_ =	shalt  }
0x81: {  	_ =	shalt  }
0x82: {  	_ =	shalt  }
0x83: {  	_ =	shalt  }
0x84: {  	_ =	shalt  }
0x85: {  	_ =	shalt  }
0x86: {  	_ =	shalt  }
0x87: {  	_ =	shalt  }
.Lfunc_end0:
.L_simem_size_0:
called_computation_lowered:
.L_overlay_start_0:
0x88: {  	s2 =	sld [smem:$0x3FD9]  }
0x89: {  	s3 =	sld [smem:$0x3FFE];
	_ =	sdelay $0x1  }
0x8a: {  	s1 =	srdreg.scid  }
0x8b: {  	s0 =	sand.u32 $0x1, s1  }
0x8c: {  	s18 =	sshll.u32 s0, $0xA;
	s2 =	sadd.s32 s3, s2  }
0x8d: {  	s2 =	sadd.s32 s2, s18  }
0x8e: {  	[smem:$0x3FC4] =	sst s2  }
0x8f: {  	_ = 	snop  }
0x90: {  	s2 =	sld [smem:$0x3FC9]  }
0x91: {  	s19 =	sld [smem:$0x3FC8]  }
0x92: {  	s4 =	sld [smem:$0x3FC7]  }
0x93: {  	s5 =	sld [smem:$0x3FC6]  }
0x94: {  	s6 =	sld [smem:$0x3FD0];
	(tm) =	ssettm $0x1  }
0x95: {  	s7 =	sld [smem:$0x3FFB];
	_ =	sdelay $0x3  }
0x96: {  	_ =	strace s7  }
0x97: {  	s7 =	sld [smem:$0x3FFC];
	_ =	sdelay $0x3  }
0x98: {  	_ =	strace s7  }
0x99: {  	s7 =	sld [smem:$0x3FFD];
	_ =	sdelay $0x3  }
0x9a: {  	_ =	strace s7  }
0x9b: {  	_ =	strace $0x8FFFFFFF  }
0x9c: {  	s20 =	sld [smem:$0x3FDB];
	_ =	sdelay $0x1  }
0x9d: {  	s8 =	simm.s32 $_scs_section_size  }
0x9e: {  	s9 =	simm.s32 $_size__tile_overlayer_lowered;
	s10 =	simm.s32 $_tile_overlayer_lowered  }
0x9f: {  	s23 =	simm.s32 $0x1BFF;
	s22 =	sshll.u32 s10, $0x1;
	s7 =	sadd.s32 s8, s20  }
0xa0: {  	s11 =	simm.s32 $0x0;
	s21 =	sshll.u32 s9, $0x1;
	s9 =	sadd.s32 s22, s7  }
0xa1: {  	[timem:s11], [sflag:s23] =	dma.local [hbm:s9], s21  }
0xa2: {  	_ =	swait.ge [sflag:s23], s21  }
0xa3: {  	s8 =	ssub.s32 $0x0, s21;
	[sflag:s23] =	ssyncset.done $0x0  }
0xa4: {  	[sflag:s23] =	ssyncadd.s32 s8;
	_ =	sdelay $0x1  }
0xa5: {  	s24 =	simm.s32 $0x1B8B  }
0xa6: {  	_ =	swait.ge [sflag:s24], $0x1  }
0xa7: {  	[sflag:s24] =	ssyncset.done $0x0  }
0xa8: {  	s25 =	simm.s32 $0x1B8E;
	[sflag:s24] =	ssyncadd.s32 $0xFFFFFFFF  }
0xa9: {  	s26 =	simm.s32 $execute0_lowered;
	[smem:$0x3FD2] =	sst s25  }
0xaa: {  	s8 =	sshll.u32 s26, $0x1;
	_ =	strace $0x80000046;
	[dreg:$0x1] =	wrdreg $0xFFFFFFFF  }
0xab: {  	s28 =	simm.s32 $_size_execute0_lowered;
	s7 =	sadd.s32 s7, s8;
	[dreg:$0x0] =	wrdreg $0x0  }
0xac: {  	s8 =	sshll.u32 s28, $0x1;
	[dreg:$0x2] =	wrdreg s7  }
0xad: {  	[dreg:$0x3] =	wrdreg s8  }
0xae: {  	[dreg:$0x4] =	wrdreg $0xC0  }
0xaf: {  	_ =	task [dreg:s11], $0x5FFFF  }
0xb0: {  	[dreg:$0x1] =	wrdreg $0xFFFFFFFF  }
0xb1: {  	[dreg:$0x0] =	wrdreg $0x60  }
0xb2: {  	[dreg:$0x2] =	wrdreg s2  }
0xb3: {  	[dreg:$0x3] =	wrdreg s19  }
0xb4: {  	[dreg:$0x4] =	wrdreg s4  }
0xb5: {  	[dreg:$0x5] =	wrdreg s5  }
0xb6: {  	[dreg:$0x6] =	wrdreg s6  }
0xb7: {  	[dreg:$0x7] =	wrdreg $0x9  }
0xb8: {  	_ =	task.clear_ibuf [dreg:s11], $0x8FFFF;
	_ =	strace $0x90000046  }
0xb9: {  	s29 =	simm.s32 $0x9;
	_ =	strace $0x80000048  }
0xba: {  	_ =	swait.ge [sflag:s29], $0x1  }
0xbb: {  	[sflag:s29] =	ssyncadd.s32 $0xFFFFFFFF  }
0xbc: {  	_ =	strace $0x90000048  }
0xbd: {  	_ =	sfence  }
0xbe: {  	s30 =	sld [smem:$0x0];
	_ =	sdelay $0x2  }
0xbf: {  	s31 =	sshll.u32 s1, $0xD;
	s1 =	sshrl.u32 s1, $0x2  }
0xc0: {  	s3 =	sand.u32 $0x4000, s31;
	s1 =	sadd.s32 s1, s30  }
0xc1: {  	s0 =	sor.u32 s3, s0;
	s1 =	sshll.u32 s1, $0x11  }
0xc2: {  	s0 =	sor.u32 s1, s0  }
0xc3: {  	s0 =	sadd.s32 $0x8F2B, s0  }
0xc4: {  	[sflag:s0] =	ssyncadd.remote.s32 $0x1  }
0xc5: {  	_ =	sfence.sel $0xFFFF  }
0xc6: {  	[dreg:$0x0] =	wrdreg $0xFFFFFFFF;
	(pc) =	sbr.abs _section_cstart, $3  }
0xc7: {  	[dreg:$0x1] =	wrdreg $0xFFFFFFFF  }
0xc8: {  	_ =	task.clear_ibuf [dreg:s11], $0x2FFFF;
	_ =	strace $0x9FFFFFFF  }
0xc9: {  	(tm) =	ssettm $0x7FFFFFFF  }
tec
execute0_lowered:
.L_overlay_start_1:
0x0: {  	(tag) =	ssettag $0x1  }
0x1: {  	s1 =	rddreg [dreg:$0x0]  }
0x2: {  	s3 =	rddreg [dreg:$0x2]  }
0x3: {  	s0 =	srdreg.scid;
	s2 =	stileid.u32  }
0x4: {  	s5 =	rddreg [dreg:$0x3];
	s0 =	sand.u32 $0x1, s0;
	s2 =	sshll.u32 s2, $0x1  }
0x5: {  	s6 =	rddreg [dreg:$0x4];
	s2 =	sor.u32 s0, s2;
	s0 =	ssub.s32 $0x2, s0  }
0x6: {  	s7 =	simm.s32 $0x0;
	s9 =	smul.u32 $0x6400, s2;
	s21 =	sshrl.u32 s0, $0x1  }
0x7: {  	[smem:$0x7FF] =	sst s7;
	s0 =	ssub.s32 s0, s21  }
0x8: {  	s8 =	smul.u32 $0x190000, s2;
	s22 =	sshrl.u32 s9, $0x3;
	s0 =	smax.u32 s0, $0x1  }
0x9: {  	_ =	strace $0x80000047;
	s23 =	sadd.s32 s3, s22;
	[dreg:$0xf] =	wrdreg s0  }
0xa: {  	s4 =	sshrl.u32 s8, $0x3;
	s24 =	sadd.s32 s5, s22;
	[dreg:$0x7] =	wrdreg s23  }
0xb: {  	s29 =	simm.s32 $0x1;
	s10 =	sadd.s32 s1, s4;
	[dreg:$0x8] =	wrdreg s24  }
0xc: {  	s25 =	sor.u32 $0x19, s22;
	s11 =	sadd.s32 $0x640, s10;
	[dreg:$0x6] =	wrdreg s10  }
0xd: {  	s31 =	simm.s32 $0x2;
	s26 =	sadd.s32 s3, s25;
	[dreg:$0x9] =	wrdreg s11  }
0xe: {  	s19 =	sor.u32 $0x3200, s8;
	s4 =	sadd.s32 s5, s25;
	[dreg:$0xa] =	wrdreg s26  }
0xf: {  	s2 =	sor.u32 $0x32, s22;
	s28 =	sadd.s32 $0xC80, s10;
	[dreg:$0xb] =	wrdreg s4  }
0x10: {  	s20 =	sor.u32 $0x6400, s8;
	s30 =	sadd.s32 s3, s2;
	[dreg:$0xc] =	wrdreg s28  }
0x11: {  	s0 =	simm.s32 $0x3;
	s2 =	sadd.s32 s5, s2;
	[dreg:$0xd] =	wrdreg s30  }
0x12: {  	s24 =	simm.s32 $0x4;
	s10 =	simm.s32 $0x0;
	[dreg:$0xe] =	wrdreg s2  }
.LBB2_1:
0x13: {  	[dreg:$0x10] =	wrdreg s10  }
0x14: {  	s2 =	rddreg [dreg:$0x1];
	s4 =	simm.s32 $0x38C0;
	s25 =	simm.s32 $0x9  }
0x15: {  	[tilespmem:s4], [sflag:$0x9] =	stream.linear.gather [hbm4b:s2+s7], $0x40, $0x38;
	[tilespmem:$0x197C0] =	vst v63  }
0x16: {  	_ =	swait.ge [sflag:s25], $0x40  }
0x17: {  	[sflag:s25] =	ssyncset.done $0x0  }
0x18: {  	s26 =	simm.s32 $0x6B00;
	[sflag:s25] =	ssyncadd.s32 $0xFFFFFFC0  }
0x19: {  	[tilespmem:s26], [sflag:$0x9] =	stream.linear.gather [hbm4b:s2+s7], $0x40, $0x38;
	[tilespmem:$0x197C0] =	vst v63  }
0x1a: {  	_ =	swait.ge [sflag:s25], $0x40  }
0x1b: {  	[sflag:s25] =	ssyncset.done $0x0  }
0x1c: {  	s28 =	simm.s32 $0x9D40;
	[sflag:s25] =	ssyncadd.s32 $0xFFFFFFC0  }
0x1d: {  	[tilespmem:s28], [sflag:$0x9] =	stream.linear.gather [hbm4b:s2+s7], $0x40, $0x38;
	[tilespmem:$0x197C0] =	vst v63  }
0x1e: {  	_ =	swait.ge [sflag:s25], $0x40  }
0x1f: {  	[sflag:s25] =	ssyncset.done $0x0  }
0x20: {  	s30 =	simm.s32 $0xCF80;
	[sflag:s25] =	ssyncadd.s32 $0xFFFFFFC0  }
0x21: {  	[tilespmem:s30], [sflag:$0x9] =	stream.linear.gather [hbm4b:s2+s7], $0x40, $0x38;
	[tilespmem:$0x197C0] =	vst v63  }
0x22: {  	_ =	swait.ge [sflag:s25], $0x40  }
0x23: {  	[sflag:s25] =	ssyncset.done $0x0  }
0x24: {  	s10 =	simm.s32 $0x6C0;
	s4 =	rddreg [dreg:$0x6];
	[sflag:s25] =	ssyncadd.s32 $0xFFFFFFC0  }
0x25: {  	[tilespmem:s10], [sflag:$0x1] =	stream.linear.gather [hbm4b:s4+s7], $0x3200, $0x38;
	[tilespmem:$0x197C0] =	vst v63  }
0x26: {  	s11 =	rddreg [dreg:$0x7]  }
0x27: {  	[tilespmem:s7], [sflag:$0x1] =	stream.linear.gather [hbm4b:s11+s7], $0xC8, $0x38;
	[tilespmem:$0x197C0] =	vst v63  }
0x28: {  	s13 =	simm.s32 $0x360;
	s12 =	rddreg [dreg:$0x8]  }
0x29: {  	[tilespmem:s13], [sflag:$0x1] =	stream.linear.gather [hbm4b:s12+s7], $0xC8, $0x38;
	[tilespmem:$0x197C0] =	vst v63  }
0x2a: {  	s15 =	simm.s32 $0x3900;
	s14 =	rddreg [dreg:$0x9]  }
0x2b: {  	[tilespmem:s15], [sflag:$0x2] =	stream.linear.gather [hbm4b:s14+s7], $0x3200, $0x38;
	[tilespmem:$0x197C0] =	vst v63  }
0x2c: {  	s17 =	simm.s32 $0xD8;
	s16 =	rddreg [dreg:$0xa]  }
0x2d: {  	[tilespmem:s17], [sflag:$0x2] =	stream.linear.gather [hbm4b:s16+s7], $0xC8, $0x38;
	[tilespmem:$0x197C0] =	vst v63  }
0x2e: {  	s21 =	simm.s32 $0x438;
	s18 =	rddreg [dreg:$0xb]  }
0x2f: {  	[tilespmem:s21], [sflag:$0x2] =	stream.linear.gather [hbm4b:s18+s7], $0xC8, $0x38;
	[tilespmem:$0x197C0] =	vst v63  }
0x30: {  	s23 =	simm.s32 $0x6B40;
	s22 =	rddreg [dreg:$0xc]  }
0x31: {  	[tilespmem:s23], [sflag:$0x3] =	stream.linear.gather [hbm4b:s22+s7], $0x3200, $0x38;
	[tilespmem:$0x197C0] =	vst v63  }
0x32: {  	s26 =	simm.s32 $0x1B0;
	s25 =	rddreg [dreg:$0xd]  }
0x33: {  	[tilespmem:s26], [sflag:$0x3] =	stream.linear.gather [hbm4b:s25+s7], $0xC8, $0x38;
	[tilespmem:$0x197C0] =	vst v63  }
0x34: {  	s30 =	simm.s32 $0x510;
	s28 =	rddreg [dreg:$0xe];
	s17 =	simm.s32 $0x0  }
0x35: {  	[tilespmem:s30], [sflag:$0x3] =	stream.linear.gather [hbm4b:s28+s7], $0xC8, $0x38;
	[tilespmem:$0x197C0] =	vst v63  }
.LBB2_2:
0x36: {  	s2 =	sshllo.u32 s17, $0x2  }
0x37: {  	s4 =	smul.u32 $0x3200, s2  }
0x38: {  	s2 =	smul.u32 $0xC8, s2  }
0x39: {  	s4 =	sadd.s32 s8, s4  }
0x3a: {  	s2 =	sadd.s32 s9, s2;
	s18 =	sshrl.u32 s4, $0x3  }
0x3b: {  	s10 =	simm.s32 $0x9D80;
	s2 =	sshrl.u32 s2, $0x3;
	s4 =	sadd.s32 s1, s18  }
0x3c: {  	[tilespmem:s10], [sflag:$0x4] =	stream.linear.gather [hbm4b:s4+s7], $0x3200, $0x38;
	[tilespmem:$0x197C0] =	vst v63  }
0x3d: {  	s11 =	simm.s32 $0x288;
	s10 =	sadd.s32 s3, s2  }
0x3e: {  	[tilespmem:s11], [sflag:$0x4] =	stream.linear.gather [hbm4b:s10+s7], $0xC8, $0x38;
	[tilespmem:$0x197C0] =	vst v63  }
0x3f: {  	s12 =	simm.s32 $0x5E8;
	s2 =	sadd.s32 s5, s2  }
0x40: {  	[tilespmem:s12], [sflag:$0x4] =	stream.linear.gather [hbm4b:s2+s7], $0xC8, $0x38;
	[tilespmem:$0x197C0] =	vst v63  }
0x41: {  	_ =	swait.ge [sflag:s29], $0x3200  }
0x42: {  	[sflag:s29] =	ssyncset.done $0x0  }
0x43: {  	[sflag:s29] =	ssyncadd.s32 $0xFFFFCE00  }
0x44: {  	_ =	swait.ge [sflag:s29], $0xC8  }
0x45: {  	[sflag:s29] =	ssyncset.done $0x0  }
0x46: {  	[sflag:s29] =	ssyncadd.s32 $0xFFFFFF38  }
0x47: {  	_ =	swait.ge [sflag:s29], $0xC8  }
0x48: {  	p0 =	seq.s32 s17, $0x0;
	[sflag:s29] =	ssyncset.done $0x0  }
0x49: {  	s2 =	simm.s32 @!p0 $0x5;
	[sflag:s29] =	ssyncadd.s32 $0xFFFFFF38  }
0x4a: {  	_ =	swait.ge @!p0 [sflag:s2], $0x3200  }
0x4b: {  	[sflag:s2] =	ssyncset.done @!p0 $0x0  }
0x4c: {  	s13 =	simm.s32 $0x4;
	[sflag:s2] =	ssyncadd.s32 @!p0 $0xFFFFCE00  }
0x4d: {  	s10 =	simm.s32 $0x364;
	v0 =	vld [tilespmem:s13+$0x3]  }
0x4e: {  	v1 =	vld [tilespmem:s10+$0x3]  }
0x4f: {  	v2 =	vld [tilespmem:s10+$0xFFFFFFFC]  }
0x50: {  	v3 =	vld [tilespmem:s13+$0xFFFFFFFD]  }
0x51: {  	v4 =	vld [tilespmem:s10+$0xFFFFFFFD]  }
0x52: {  	v5 =	vld [tilespmem:s13+$0xFFFFFFFE];
	(v2sf) =	vpush v0, $0x0  }
0x53: {  	v0 =	vld [tilespmem:s10+$0xFFFFFFFE];
	(v2sf) =	vpush v1, $0x0  }
0x54: {  	v1 =	vld [tilespmem:s13+$0xFFFFFFFF];
	(v2sf) =	vpush v2, $0x0  }
0x55: {  	v2 =	vld [tilespmem:s10+$0xFFFFFFFF];
	(v2sf) =	vpush v3, $0x0  }
0x56: {  	v3 =	vld [tilespmem:s13+$0x0];
	(v2sf) =	vpush v4, $0x0  }
0x57: {  	v4 =	vld [tilespmem:s10+$0x0];
	(v2sf) =	vpush v5, $0x0  }
0x58: {  	v5 =	vld [tilespmem:s13+$0x1];
	(v2sf) =	vpush v0, $0x0  }
0x59: {  	v0 =	vld [tilespmem:s10+$0x1];
	(v2sf) =	vpush v1, $0x0  }
0x5a: {  	v1 =	vld [tilespmem:s13+$0x2];
	(v2sf) =	vpush v2, $0x0  }
0x5b: {  	v2 =	vld [tilespmem:s10+$0x2];
	(v2sf) =	vpush v3, $0x0  }
0x5c: {  	v3 =	vld [tilespmem:s13+$0xFFFFFFFC];
	(v2sf) =	vpush v4, $0x0  }
0x5d: {  	(v2sf) =	vpush v5, $0x0  }
0x5e: {  	(v2sf) =	vpush v0, $0x0  }
0x5f: {  	(v2sf) =	vpush v1, $0x0  }
0x60: {  	(v2sf) =	vpush v2, $0x0  }
0x61: {  	(v2sf) =	vpush v3, $0x0;
	s14 =	spop (v2sf)  }
0x62: {  	s15 =	spop (v2sf)  }
0x63: {  	s4 =	sshll.u32 s14, $0x6;
	p1 =	seq.s32 s15, $0x0;
	s21 =	spop (v2sf)  }
0x64: {  	s4 =	simm.s32 @p1 $0x3200;
	s16 =	spop (v2sf)  }
0x65: {  	v0 =	vld [tilespmem:s4+$0x6C0];
	s14 =	spop (v2sf)  }
0x66: {  	s12 =	simm.s32 $0xD0C0;
	s15 =	spop (v2sf)  }
0x67: {  	s13 =	sshll.u32 s16, $0x6;
	p1 =	seq.s32 s14, $0x0;
	s22 =	spop (v2sf)  }
0x68: {  	s13 =	simm.s32 @p1 $0x3200;
	s14 =	sshll.u32 s15, $0x6;
	s23 =	spop (v2sf)  }
0x69: {  	v1 =	vld [tilespmem:s13+$0x6C0];
	p1 =	seq.s32 s22, $0x0;
	s15 =	sshll.u32 s23, $0x6;
	s25 =	spop (v2sf)  }
0x6a: {  	s14 =	simm.s32 @p1 $0x3200;
	p1 =	seq.s32 s25, $0x0;
	[tilespmem:s12+$0xC0] =	vst v0;
	s26 =	spop (v2sf)  }
0x6b: {  	s15 =	simm.s32 @p1 $0x3200;
	v0 =	vld [tilespmem:s4+$0x6D0];
	s16 =	spop (v2sf)  }
0x6c: {  	v2 =	vld [tilespmem:s14+$0x6C0];
	s2 =	sshll.u32 s26, $0x6;
	p1 =	seq.s32 s16, $0x0;
	s11 =	spop (v2sf)  }
0x6d: {  	v3 =	vld [tilespmem:s15+$0x6C0];
	s2 =	simm.s32 @p1 $0x3200;
	s22 =	spop (v2sf)  }
0x6e: {  	[tilespmem:s12+$0xFFFFFF40] =	vst v1;
	s23 =	sshll.u32 s11, $0x6;
	v1 =	vld [tilespmem:s2+$0x6C0];
	p1 =	seq.s32 s22, $0x0;
	s22 =	spop (v2sf)  }
0x6f: {  	v4 =	vld [tilespmem:s13+$0x6D0];
	s23 =	simm.s32 @p1 $0x3200;
	s25 =	spop (v2sf)  }
0x70: {  	s16 =	sshll.u32 s22, $0x6;
	v5 =	vld [tilespmem:s23+$0x6C0];
	p1 =	seq.s32 s25, $0x0;
	[tilespmem:s12+$0xD0] =	vst v0;
	s26 =	spop (v2sf)  }
0x71: {  	p2 =	seq.s32 s21, $0x0;
	[tilespmem:s12+$0xFFFFFF80] =	vst v2;
	s30 =	sshll.u32 s26, $0x6;
	s16 =	simm.s32 @p1 $0x3200;
	v0 =	vld [tilespmem:s4+$0x6E0]  }
0x72: {  	[tilespmem:s12+$0xFFFFFFC0] =	vst v3;
	s30 =	simm.s32 @p2 $0x3200;
	v2 =	vld [tilespmem:s16+$0x6C0]  }
0x73: {  	v3 =	vld [tilespmem:s30+$0x6C0];
	[tilespmem:s12+$0x0] =	vst v1  }
0x74: {  	v6 =	vld [tilespmem:s15+$0x6D0];
	[tilespmem:s12+$0xFFFFFF50] =	vst v4  }
0x75: {  	v1 =	vld [tilespmem:s14+$0x6D0];
	[tilespmem:s12+$0x40] =	vst v5  }
0x76: {  	v5 =	vld [tilespmem:s2+$0x6D0];
	[tilespmem:s12+$0xE0] =	vst v0  }
0x77: {  	[tilespmem:s12+$0x80] =	vst v2;
	v7 =	vld [tilespmem:s4+$0x6F0]  }
0x78: {  	[tilespmem:s12+$0xFFFFFF00] =	vst v3;
	v3 =	vld [tilespmem:s23+$0x6D0]  }
0x79: {  	[tilespmem:s12+$0xFFFFFFD0] =	vst v6;
	v4 =	vld [tilespmem:s30+$0x6D0]  }
0x7a: {  	[tilespmem:s12+$0xFFFFFF90] =	vst v1;
	v1 =	vld [tilespmem:s16+$0x6D0]  }
0x7b: {  	s28 =	simm.s32 $0xC;
	v0 =	vld [tilespmem:s13+$0x6E0];
	[tilespmem:s12+$0x10] =	vst v5  }
0x7c: {  	s21 =	sshll.u32 s17, $0x2;
	s25 =	simm.s32 $0xD0C0;
	s26 =	simm.s32 $0x0;
	v2 =	vld [tilespmem:s14+$0x6E0];
	[tilespmem:s12+$0xF0] =	vst v7  }
.LBB2_3:
0x7d: {  	v5 =	vld [tilespmem:s28+$0x3];
	[tilespmem:s12+$0x50] =	vst v3;
	s10 =	sadd.s32 $0x8, s10  }
0x7e: {  	s26 =	sadd.s32 $0x8, s26;
	v3 =	vld [tilespmem:s10+$0x3];
	[tilespmem:s12+$0xFFFFFF10] =	vst v4  }
0x7f: {  	p1 =	slt.u32 s26, $0xC0;
	v4 =	vld [tilespmem:s10+$0xFFFFFFFC];
	[tilespmem:s12+$0x90] =	vst v1  }
0x80: {  	v1 =	vld [tilespmem:s28+$0xFFFFFFFD];
	[tilespmem:s12+$0xFFFFFF60] =	vst v0  }
0x81: {  	v0 =	vld [tilespmem:s10+$0xFFFFFFFD];
	[tilespmem:s12+$0xFFFFFFA0] =	vst v2  }
0x82: {  	v2 =	vld [tilespmem:s28+$0xFFFFFFFE];
	(v2sf) =	vpush v5, $0x0  }
0x83: {  	v5 =	vld [tilespmem:s10+$0xFFFFFFFE];
	(v2sf) =	vpush v3, $0x0  }
0x84: {  	v3 =	vld [tilespmem:s28+$0xFFFFFFFF];
	(v2sf) =	vpush v4, $0x0  }
0x85: {  	v4 =	vld [tilespmem:s10+$0xFFFFFFFF];
	(v2sf) =	vpush v1, $0x0  }
0x86: {  	v1 =	vld [tilespmem:s28+$0x0];
	(v2sf) =	vpush v0, $0x0  }
0x87: {  	v0 =	vld [tilespmem:s10+$0x0];
	(v2sf) =	vpush v2, $0x0  }
0x88: {  	v2 =	vld [tilespmem:s28+$0x1];
	(v2sf) =	vpush v5, $0x0  }
0x89: {  	v5 =	vld [tilespmem:s10+$0x1];
	(v2sf) =	vpush v3, $0x0  }
0x8a: {  	v3 =	vld [tilespmem:s28+$0x2];
	(v2sf) =	vpush v4, $0x0  }
0x8b: {  	v4 =	vld [tilespmem:s10+$0x2];
	(v2sf) =	vpush v1, $0x0  }
0x8c: {  	v1 =	vld [tilespmem:s28+$0xFFFFFFFC];
	(v2sf) =	vpush v0, $0x0  }
0x8d: {  	(v2sf) =	vpush v2, $0x0;
	v0 =	vld [tilespmem:s30+$0x6E0]  }
0x8e: {  	(v2sf) =	vpush v5, $0x0;
	v2 =	vld [tilespmem:s15+$0x6E0]  }
0x8f: {  	(v2sf) =	vpush v3, $0x0;
	v3 =	vld [tilespmem:s2+$0x6E0]  }
0x90: {  	(v2sf) =	vpush v4, $0x0;
	v4 =	vld [tilespmem:s23+$0x6E0]  }
0x91: {  	(v2sf) =	vpush v1, $0x0;
	s4 =	spop (v2sf);
	v1 =	vld [tilespmem:s16+$0x6E0]  }
0x92: {  	s22 =	spop (v2sf);
	[tilespmem:s12+$0xFFFFFF20] =	vst v0;
	v0 =	vld [tilespmem:s13+$0x6F0]  }
0x93: {  	s4 =	sshll.u32 s4, $0x6;
	p3 =	seq.s32 s22, $0x0;
	s13 =	spop (v2sf);
	v5 =	vld [tilespmem:s30+$0x6F0];
	[tilespmem:s12+$0xFFFFFFE0] =	vst v2  }
0x94: {  	p2 =	seq.s32 s13, $0x0;
	s4 =	simm.s32 @p3 $0x3200;
	s13 =	spop (v2sf);
	v2 =	vld [tilespmem:s14+$0x6F0];
	[tilespmem:s12+$0x20] =	vst v3  }
0x95: {  	s13 =	sshll.u32 s13, $0x6;
	v3 =	vld [tilespmem:s4+$0x6C0];
	s14 =	spop (v2sf);
	[tilespmem:s12+$0x60] =	vst v4  }
0x96: {  	p3 =	seq.s32 s14, $0x0;
	s14 =	spop (v2sf);
	v4 =	vld [tilespmem:s15+$0x6F0];
	[tilespmem:s12+$0xA0] =	vst v1  }
0x97: {  	s13 =	simm.s32 @p3 $0x3200;
	s14 =	sshll.u32 s14, $0x6;
	s15 =	spop (v2sf);
	[tilespmem:s12+$0xFFFFFF70] =	vst v0;
	v0 =	vld [tilespmem:s2+$0x6F0]  }
0x98: {  	v1 =	vld [tilespmem:s13+$0x6C0];
	p3 =	seq.s32 s15, $0x0;
	s2 =	spop (v2sf);
	[tilespmem:s12+$0xFFFFFF30] =	vst v5  }
0x99: {  	s12 =	sadd.s32 $0x200, s12;
	s15 =	sshll.u32 s2, $0x6;
	s2 =	spop (v2sf);
	[tilespmem:s25+$0xFFFFFFB0] =	vst v2;
	v2 =	vld [tilespmem:s23+$0x6F0]  }
0x9a: {  	s14 =	simm.s32 @p3 $0x3200;
	p3 =	seq.s32 s2, $0x0;
	[tilespmem:s12+$0xC0] =	vst v3;
	s2 =	spop (v2sf);
	v3 =	vld [tilespmem:s16+$0x6F0]  }
0x9b: {  	s15 =	simm.s32 @p3 $0x3200;
	s2 =	sshll.u32 s2, $0x6;
	v5 =	vld [tilespmem:s4+$0x6D0];
	s16 =	spop (v2sf);
	[tilespmem:s25+$0xFFFFFFF0] =	vst v4  }
0x9c: {  	v4 =	vld [tilespmem:s14+$0x6C0];
	p3 =	seq.s32 s16, $0x0;
	s16 =	spop (v2sf);
	[tilespmem:s25+$0x30] =	vst v0  }
0x9d: {  	[tilespmem:s12+$0xFFFFFF40] =	vst v1;
	v0 =	vld [tilespmem:s15+$0x6C0];
	s2 =	simm.s32 @p3 $0x3200;
	s23 =	sshll.u32 s16, $0x6;
	s16 =	spop (v2sf)  }
0x9e: {  	v1 =	vld [tilespmem:s2+$0x6C0];
	p3 =	seq.s32 s16, $0x0;
	s16 =	spop (v2sf);
	[tilespmem:s25+$0x70] =	vst v2  }
0x9f: {  	v2 =	vld [tilespmem:s13+$0x6D0];
	s23 =	simm.s32 @p3 $0x3200;
	s16 =	sshll.u32 s16, $0x6;
	s22 =	spop (v2sf);
	[tilespmem:s25+$0xB0] =	vst v3  }
0xa0: {  	s25 =	smov.u32 s12;
	v3 =	vld [tilespmem:s23+$0x6C0];
	p3 =	seq.s32 s22, $0x0;
	[tilespmem:s12+$0xD0] =	vst v5;
	s22 =	spop (v2sf)  }
0xa1: {  	s30 =	sshll.u32 s22, $0x6;
	[tilespmem:s12+$0xFFFFFF80] =	vst v4;
	s16 =	simm.s32 @p3 $0x3200;
	v4 =	vld [tilespmem:s4+$0x6E0]  }
0xa2: {  	s30 =	simm.s32 @p2 $0x3200;
	[tilespmem:s12+$0xFFFFFFC0] =	vst v0;
	v0 =	vld [tilespmem:s16+$0x6C0]  }
0xa3: {  	v5 =	vld [tilespmem:s30+$0x6C0];
	[tilespmem:s12+$0x0] =	vst v1  }
0xa4: {  	[tilespmem:s12+$0xFFFFFF50] =	vst v2;
	v1 =	vld [tilespmem:s14+$0x6D0]  }
0xa5: {  	v2 =	vld [tilespmem:s15+$0x6D0];
	[tilespmem:s12+$0x40] =	vst v3  }
0xa6: {  	v6 =	vld [tilespmem:s2+$0x6D0];
	[tilespmem:s12+$0xE0] =	vst v4  }
0xa7: {  	[tilespmem:s12+$0x80] =	vst v0;
	v7 =	vld [tilespmem:s4+$0x6F0]  }
.Ltmp0:
0xa8: {  	[tilespmem:s12+$0xFFFFFF00] =	vst v5;
	v3 =	vld [tilespmem:s23+$0x6D0];
	(pc) =	sbr.rel @p1 .LBB2_3-.Ltmp0, $4  }
0xa9: {  	v4 =	vld [tilespmem:s30+$0x6D0];
	[tilespmem:s12+$0xFFFFFF90] =	vst v1  }
0xaa: {  	[tilespmem:s12+$0xFFFFFFD0] =	vst v2;
	v1 =	vld [tilespmem:s16+$0x6D0]  }
0xab: {  	v0 =	vld [tilespmem:s13+$0x6E0];
	[tilespmem:s12+$0x10] =	vst v6  }
0xac: {  	s28 =	sadd.s32 $0x8, s28;
	v2 =	vld [tilespmem:s14+$0x6E0];
	[tilespmem:s12+$0xF0] =	vst v7  }
0xad: {  	[tilespmem:s12+$0x50] =	vst v3  }
0xae: {  	v3 =	vld [tilespmem:s15+$0x6E0];
	[tilespmem:s12+$0xFFFFFF10] =	vst v4  }
0xaf: {  	v4 =	vld [tilespmem:s30+$0x6E0]  }
0xb0: {  	[tilespmem:s12+$0x90] =	vst v1;
	v1 =	vld [tilespmem:s2+$0x6E0]  }
0xb1: {  	[tilespmem:s12+$0xFFFFFF60] =	vst v0;
	v0 =	vld [tilespmem:s23+$0x6E0]  }
0xb2: {  	[tilespmem:s12+$0xFFFFFFA0] =	vst v2;
	v2 =	vld [tilespmem:s16+$0x6E0]  }
0xb3: {  	[tilespmem:s12+$0xFFFFFFE0] =	vst v3;
	v3 =	vld [tilespmem:s14+$0x6F0]  }
0xb4: {  	[tilespmem:s12+$0xFFFFFF20] =	vst v4;
	v4 =	vld [tilespmem:s13+$0x6F0]  }
0xb5: {  	[tilespmem:s12+$0x20] =	vst v1;
	v5 =	vld [tilespmem:s30+$0x6F0]  }
0xb6: {  	[tilespmem:s12+$0x60] =	vst v0;
	v0 =	vld [tilespmem:s15+$0x6F0]  }
0xb7: {  	v1 =	vld [tilespmem:s2+$0x6F0];
	[tilespmem:s12+$0xA0] =	vst v2  }
0xb8: {  	v2 =	vld [tilespmem:s23+$0x6F0];
	[tilespmem:s25+$0xFFFFFFB0] =	vst v3  }
0xb9: {  	[tilespmem:s12+$0xFFFFFF70] =	vst v4;
	v4 =	vld [tilespmem:s16+$0x6F0]  }
0xba: {  	s10 =	smul.u32 $0xC800, s17;
	[tilespmem:s12+$0xFFFFFF30] =	vst v5  }
0xbb: {  	[tilespmem:s25+$0xFFFFFFF0] =	vst v0  }
0xbc: {  	p1 =	seq.s32 s17, $0x1F;
	s14 =	sadd.s32 s8, s10;
	[tilespmem:s25+$0x30] =	vst v1  }
0xbd: {  	s4 =	sadd.s32 @!p1 $0x4, s21;
	s2 =	sshrl.u32 s14, $0x3;
	[tilespmem:s25+$0x70] =	vst v2  }
0xbe: {  	s11 =	simm.s32 $0xCFC0;
	s2 =	sadd.s32 s6, s2;
	s12 =	smul.u32 @!p1 $0x3200, s4;
	[tilespmem:s25+$0xB0] =	vst v4  }
0xbf: {  	[hbm4b:s2+s7] =	stream.linear.scatter [tilespmem:s11], [sflag:$0x5], $0x3200, $0x38;
	[tilespmem:$0x197C0] =	vst v63  }
0xc0: {  	s2 =	sadd.s32 @!p1 s8, s12  }
0xc1: {  	s13 =	simm.s32 @!p1 $0x6C0;
	s2 =	sshrl.u32 @!p1 s2, $0x3  }
0xc2: {  	s4 =	smul.u32 @!p1 $0xC8, s4;
	s12 =	simm.s32 @!p1 $0x0;
	s2 =	sadd.s32 @!p1 s1, s2  }
0xc3: {  	[tilespmem:s13], [sflag:$0x1] =	stream.linear.gather @!p1 [hbm4b:s2+s12], $0x3200, $0x38;
	[tilespmem:$0x197C0] =	vst v63  }
0xc4: {  	s2 =	sadd.s32 @!p1 s9, s4  }
0xc5: {  	s2 =	sshrl.u32 @!p1 s2, $0x3  }
0xc6: {  	s4 =	sadd.s32 @!p1 s3, s2  }
0xc7: {  	[tilespmem:s12], [sflag:$0x1] =	stream.linear.gather @!p1 [hbm4b:s4+s12], $0xC8, $0x38;
	[tilespmem:$0x197C0] =	vst v63  }
0xc8: {  	s2 =	sadd.s32 @!p1 s5, s2;
	s4 =	simm.s32 @!p1 $0x360  }
0xc9: {  	[tilespmem:s4], [sflag:$0x1] =	stream.linear.gather @!p1 [hbm4b:s2+s12], $0xC8, $0x38;
	[tilespmem:$0x197C0] =	vst v63  }
0xca: {  	_ =	swait.ge [sflag:s31], $0x3200  }
0xcb: {  	[sflag:s31] =	ssyncset.done $0x0  }
0xcc: {  	[sflag:s31] =	ssyncadd.s32 $0xFFFFCE00  }
0xcd: {  	_ =	swait.ge [sflag:s31], $0xC8  }
0xce: {  	[sflag:s31] =	ssyncset.done $0x0  }
0xcf: {  	[sflag:s31] =	ssyncadd.s32 $0xFFFFFF38  }
0xd0: {  	_ =	swait.ge [sflag:s31], $0xC8  }
0xd1: {  	[sflag:s31] =	ssyncset.done $0x0  }
0xd2: {  	s2 =	simm.s32 @!p0 $0x6;
	[sflag:s31] =	ssyncadd.s32 $0xFFFFFF38  }
0xd3: {  	_ =	swait.ge @!p0 [sflag:s2], $0x3200  }
0xd4: {  	[sflag:s2] =	ssyncset.done @!p0 $0x0  }
0xd5: {  	s15 =	simm.s32 $0xDC;
	[sflag:s2] =	ssyncadd.s32 @!p0 $0xFFFFCE00  }
0xd6: {  	s12 =	simm.s32 $0x43C;
	v0 =	vld [tilespmem:s15+$0x3]  }
0xd7: {  	v1 =	vld [tilespmem:s12+$0x3]  }
0xd8: {  	v2 =	vld [tilespmem:s12+$0xFFFFFFFC]  }
0xd9: {  	v3 =	vld [tilespmem:s15+$0xFFFFFFFD]  }
0xda: {  	v4 =	vld [tilespmem:s12+$0xFFFFFFFD]  }
0xdb: {  	v5 =	vld [tilespmem:s15+$0xFFFFFFFE];
	(v2sf) =	vpush v0, $0x0  }
0xdc: {  	v0 =	vld [tilespmem:s12+$0xFFFFFFFE];
	(v2sf) =	vpush v1, $0x0  }
0xdd: {  	v1 =	vld [tilespmem:s15+$0xFFFFFFFF];
	(v2sf) =	vpush v2, $0x0  }
0xde: {  	v2 =	vld [tilespmem:s12+$0xFFFFFFFF];
	(v2sf) =	vpush v3, $0x0  }
0xdf: {  	v3 =	vld [tilespmem:s15+$0x0];
	(v2sf) =	vpush v4, $0x0  }
0xe0: {  	v4 =	vld [tilespmem:s12+$0x0];
	(v2sf) =	vpush v5, $0x0  }
0xe1: {  	v5 =	vld [tilespmem:s15+$0x1];
	(v2sf) =	vpush v0, $0x0  }
0xe2: {  	v0 =	vld [tilespmem:s12+$0x1];
	(v2sf) =	vpush v1, $0x0  }
0xe3: {  	v1 =	vld [tilespmem:s15+$0x2];
	(v2sf) =	vpush v2, $0x0  }
0xe4: {  	v2 =	vld [tilespmem:s12+$0x2];
	(v2sf) =	vpush v3, $0x0  }
0xe5: {  	v3 =	vld [tilespmem:s15+$0xFFFFFFFC];
	(v2sf) =	vpush v4, $0x0  }
0xe6: {  	(v2sf) =	vpush v5, $0x0  }
0xe7: {  	(v2sf) =	vpush v0, $0x0  }
0xe8: {  	(v2sf) =	vpush v1, $0x0  }
0xe9: {  	(v2sf) =	vpush v2, $0x0  }
0xea: {  	(v2sf) =	vpush v3, $0x0;
	s16 =	spop (v2sf)  }
0xeb: {  	s22 =	spop (v2sf)  }
0xec: {  	p2 =	seq.s32 s22, $0x0;
	s22 =	sshll.u32 s16, $0x6;
	s4 =	spop (v2sf)  }
0xed: {  	s22 =	simm.s32 @p2 $0x3200;
	s23 =	spop (v2sf)  }
0xee: {  	v0 =	vld [tilespmem:s22+$0x3900];
	s25 =	spop (v2sf)  }
0xef: {  	s13 =	simm.s32 $0x102C0;
	s26 =	spop (v2sf)  }
0xf0: {  	s14 =	sshll.u32 s23, $0x6;
	p2 =	seq.s32 s25, $0x0;
	s11 =	spop (v2sf)  }
0xf1: {  	s14 =	simm.s32 @p2 $0x3200;
	s15 =	sshll.u32 s26, $0x6;
	s23 =	spop (v2sf)  }
0xf2: {  	v1 =	vld [tilespmem:s14+$0x3900];
	p2 =	seq.s32 s11, $0x0;
	s2 =	sshll.u32 s23, $0x6;
	s25 =	spop (v2sf)  }
0xf3: {  	s15 =	simm.s32 @p2 $0x3200;
	p2 =	seq.s32 s25, $0x0;
	[tilespmem:s13+$0xC0] =	vst v0;
	s26 =	spop (v2sf)  }
0xf4: {  	s2 =	simm.s32 @p2 $0x3200;
	v0 =	vld [tilespmem:s22+$0x3910];
	s11 =	spop (v2sf)  }
0xf5: {  	v2 =	vld [tilespmem:s15+$0x3900];
	s23 =	sshll.u32 s26, $0x6;
	p2 =	seq.s32 s11, $0x0;
	s25 =	spop (v2sf)  }
0xf6: {  	v3 =	vld [tilespmem:s2+$0x3900];
	s23 =	simm.s32 @p2 $0x3200;
	s26 =	spop (v2sf)  }
0xf7: {  	[tilespmem:s13+$0xFFFFFF40] =	vst v1;
	s16 =	sshll.u32 s25, $0x6;
	v1 =	vld [tilespmem:s23+$0x3900];
	p2 =	seq.s32 s26, $0x0;
	s11 =	spop (v2sf)  }
0xf8: {  	v4 =	vld [tilespmem:s14+$0x3910];
	s16 =	simm.s32 @p2 $0x3200;
	s26 =	spop (v2sf)  }
0xf9: {  	s25 =	sshll.u32 s11, $0x6;
	v5 =	vld [tilespmem:s16+$0x3900];
	p2 =	seq.s32 s26, $0x0;
	[tilespmem:s13+$0xD0] =	vst v0;
	s11 =	spop (v2sf)  }
0xfa: {  	p3 =	seq.s32 s4, $0x0;
	[tilespmem:s13+$0xFFFFFF80] =	vst v2;
	s4 =	sshll.u32 s11, $0x6;
	s25 =	simm.s32 @p2 $0x3200;
	v0 =	vld [tilespmem:s22+$0x3920]  }
0xfb: {  	[tilespmem:s13+$0xFFFFFFC0] =	vst v3;
	s4 =	simm.s32 @p3 $0x3200;
	v2 =	vld [tilespmem:s25+$0x3900]  }
0xfc: {  	v3 =	vld [tilespmem:s4+$0x3900];
	[tilespmem:s13+$0x0] =	vst v1  }
0xfd: {  	v6 =	vld [tilespmem:s2+$0x3910];
	[tilespmem:s13+$0xFFFFFF50] =	vst v4  }
0xfe: {  	v1 =	vld [tilespmem:s15+$0x3910];
	[tilespmem:s13+$0x40] =	vst v5  }
0xff: {  	v5 =	vld [tilespmem:s23+$0x3910];
	[tilespmem:s13+$0xE0] =	vst v0  }
0x100: {  	[tilespmem:s13+$0x80] =	vst v2;
	v7 =	vld [tilespmem:s22+$0x3930]  }
0x101: {  	[tilespmem:s13+$0xFFFFFF00] =	vst v3;
	v3 =	vld [tilespmem:s16+$0x3910]  }
0x102: {  	[tilespmem:s13+$0xFFFFFFD0] =	vst v6;
	v4 =	vld [tilespmem:s4+$0x3910]  }
0x103: {  	[tilespmem:s13+$0xFFFFFF90] =	vst v1;
	v2 =	vld [tilespmem:s25+$0x3910]  }
0x104: {  	v0 =	vld [tilespmem:s14+$0x3920];
	[tilespmem:s13+$0x10] =	vst v5  }
0x105: {  	s28 =	simm.s32 $0x0;
	s30 =	simm.s32 $0xE4;
	s26 =	simm.s32 $0x102C0;
	v1 =	vld [tilespmem:s15+$0x3920];
	[tilespmem:s13+$0xF0] =	vst v7  }
.LBB2_5:
0x106: {  	v5 =	vld [tilespmem:s30+$0x3];
	[tilespmem:s13+$0x50] =	vst v3;
	s12 =	sadd.s32 $0x8, s12  }
0x107: {  	s28 =	sadd.s32 $0x8, s28;
	v3 =	vld [tilespmem:s12+$0x3];
	[tilespmem:s13+$0xFFFFFF10] =	vst v4  }
0x108: {  	p2 =	slt.u32 s28, $0xC0;
	v4 =	vld [tilespmem:s12+$0xFFFFFFFC];
	[tilespmem:s13+$0x90] =	vst v2  }
0x109: {  	v2 =	vld [tilespmem:s30+$0xFFFFFFFD];
	[tilespmem:s13+$0xFFFFFF60] =	vst v0  }
0x10a: {  	v0 =	vld [tilespmem:s12+$0xFFFFFFFD];
	[tilespmem:s13+$0xFFFFFFA0] =	vst v1  }
0x10b: {  	v1 =	vld [tilespmem:s30+$0xFFFFFFFE];
	(v2sf) =	vpush v5, $0x0  }
0x10c: {  	v5 =	vld [tilespmem:s12+$0xFFFFFFFE];
	(v2sf) =	vpush v3, $0x0  }
0x10d: {  	v3 =	vld [tilespmem:s30+$0xFFFFFFFF];
	(v2sf) =	vpush v4, $0x0  }
0x10e: {  	v4 =	vld [tilespmem:s12+$0xFFFFFFFF];
	(v2sf) =	vpush v2, $0x0  }
0x10f: {  	v2 =	vld [tilespmem:s30+$0x0];
	(v2sf) =	vpush v0, $0x0  }
0x110: {  	v0 =	vld [tilespmem:s12+$0x0];
	(v2sf) =	vpush v1, $0x0  }
0x111: {  	v1 =	vld [tilespmem:s30+$0x1];
	(v2sf) =	vpush v5, $0x0  }
0x112: {  	v5 =	vld [tilespmem:s12+$0x1];
	(v2sf) =	vpush v3, $0x0  }
0x113: {  	v3 =	vld [tilespmem:s30+$0x2];
	(v2sf) =	vpush v4, $0x0  }
0x114: {  	v4 =	vld [tilespmem:s12+$0x2];
	(v2sf) =	vpush v2, $0x0  }
0x115: {  	v2 =	vld [tilespmem:s30+$0xFFFFFFFC];
	(v2sf) =	vpush v0, $0x0  }
0x116: {  	(v2sf) =	vpush v1, $0x0;
	v0 =	vld [tilespmem:s4+$0x3920]  }
0x117: {  	(v2sf) =	vpush v5, $0x0;
	v1 =	vld [tilespmem:s2+$0x3920]  }
0x118: {  	(v2sf) =	vpush v3, $0x0;
	v3 =	vld [tilespmem:s23+$0x3920]  }
0x119: {  	(v2sf) =	vpush v4, $0x0;
	v4 =	vld [tilespmem:s16+$0x3920]  }
0x11a: {  	(v2sf) =	vpush v2, $0x0;
	s22 =	spop (v2sf);
	v2 =	vld [tilespmem:s25+$0x3920]  }
0x11b: {  	s11 =	spop (v2sf);
	[tilespmem:s13+$0xFFFFFF20] =	vst v0;
	v0 =	vld [tilespmem:s14+$0x3930]  }
0x11c: {  	s22 =	sshll.u32 s22, $0x6;
	p4 =	seq.s32 s11, $0x0;
	s11 =	spop (v2sf);
	v5 =	vld [tilespmem:s4+$0x3930];
	[tilespmem:s13+$0xFFFFFFE0] =	vst v1  }
0x11d: {  	p3 =	seq.s32 s11, $0x0;
	s22 =	simm.s32 @p4 $0x3200;
	s4 =	spop (v2sf);
	v1 =	vld [tilespmem:s15+$0x3930];
	[tilespmem:s13+$0x20] =	vst v3  }
0x11e: {  	s14 =	sshll.u32 s4, $0x6;
	v3 =	vld [tilespmem:s22+$0x3900];
	s4 =	spop (v2sf);
	[tilespmem:s13+$0x60] =	vst v4  }
0x11f: {  	p4 =	seq.s32 s4, $0x0;
	s4 =	spop (v2sf);
	v4 =	vld [tilespmem:s2+$0x3930];
	[tilespmem:s13+$0xA0] =	vst v2  }
0x120: {  	s14 =	simm.s32 @p4 $0x3200;
	s15 =	sshll.u32 s4, $0x6;
	s2 =	spop (v2sf);
	[tilespmem:s13+$0xFFFFFF70] =	vst v0;
	v0 =	vld [tilespmem:s23+$0x3930]  }
0x121: {  	v2 =	vld [tilespmem:s14+$0x3900];
	p4 =	seq.s32 s2, $0x0;
	s2 =	spop (v2sf);
	[tilespmem:s13+$0xFFFFFF30] =	vst v5  }
0x122: {  	s13 =	sadd.s32 $0x200, s13;
	s2 =	sshll.u32 s2, $0x6;
	s4 =	spop (v2sf);
	[tilespmem:s26+$0xFFFFFFB0] =	vst v1;
	v1 =	vld [tilespmem:s16+$0x3930]  }
0x123: {  	s15 =	simm.s32 @p4 $0x3200;
	p4 =	seq.s32 s4, $0x0;
	[tilespmem:s13+$0xC0] =	vst v3;
	s4 =	spop (v2sf);
	v3 =	vld [tilespmem:s25+$0x3930]  }
0x124: {  	s2 =	simm.s32 @p4 $0x3200;
	s23 =	sshll.u32 s4, $0x6;
	v5 =	vld [tilespmem:s22+$0x3910];
	s4 =	spop (v2sf);
	[tilespmem:s26+$0xFFFFFFF0] =	vst v4  }
0x125: {  	v4 =	vld [tilespmem:s15+$0x3900];
	p4 =	seq.s32 s4, $0x0;
	s4 =	spop (v2sf);
	[tilespmem:s26+$0x30] =	vst v0  }
0x126: {  	[tilespmem:s13+$0xFFFFFF40] =	vst v2;
	v0 =	vld [tilespmem:s2+$0x3900];
	s23 =	simm.s32 @p4 $0x3200;
	s16 =	sshll.u32 s4, $0x6;
	s4 =	spop (v2sf)  }
0x127: {  	v2 =	vld [tilespmem:s23+$0x3900];
	p4 =	seq.s32 s4, $0x0;
	s4 =	spop (v2sf);
	[tilespmem:s26+$0x70] =	vst v1  }
0x128: {  	v1 =	vld [tilespmem:s14+$0x3910];
	s16 =	simm.s32 @p4 $0x3200;
	s25 =	sshll.u32 s4, $0x6;
	s4 =	spop (v2sf);
	[tilespmem:s26+$0xB0] =	vst v3  }
0x129: {  	s26 =	smov.u32 s13;
	v3 =	vld [tilespmem:s16+$0x3900];
	p4 =	seq.s32 s4, $0x0;
	[tilespmem:s13+$0xD0] =	vst v5;
	s4 =	spop (v2sf)  }
0x12a: {  	s4 =	sshll.u32 s4, $0x6;
	[tilespmem:s13+$0xFFFFFF80] =	vst v4;
	s25 =	simm.s32 @p4 $0x3200;
	v4 =	vld [tilespmem:s22+$0x3920]  }
0x12b: {  	s4 =	simm.s32 @p3 $0x3200;
	[tilespmem:s13+$0xFFFFFFC0] =	vst v0;
	v0 =	vld [tilespmem:s25+$0x3900]  }
0x12c: {  	v5 =	vld [tilespmem:s4+$0x3900];
	[tilespmem:s13+$0x0] =	vst v2  }
0x12d: {  	[tilespmem:s13+$0xFFFFFF50] =	vst v1;
	v1 =	vld [tilespmem:s15+$0x3910]  }
0x12e: {  	v2 =	vld [tilespmem:s2+$0x3910];
	[tilespmem:s13+$0x40] =	vst v3  }
0x12f: {  	v6 =	vld [tilespmem:s23+$0x3910];
	[tilespmem:s13+$0xE0] =	vst v4  }
0x130: {  	[tilespmem:s13+$0x80] =	vst v0;
	v7 =	vld [tilespmem:s22+$0x3930]  }
.Ltmp1:
0x131: {  	[tilespmem:s13+$0xFFFFFF00] =	vst v5;
	v3 =	vld [tilespmem:s16+$0x3910];
	(pc) =	sbr.rel @p2 .LBB2_5-.Ltmp1, $4  }
0x132: {  	v4 =	vld [tilespmem:s4+$0x3910];
	[tilespmem:s13+$0xFFFFFF90] =	vst v1  }
0x133: {  	[tilespmem:s13+$0xFFFFFFD0] =	vst v2;
	v2 =	vld [tilespmem:s25+$0x3910]  }
0x134: {  	v0 =	vld [tilespmem:s14+$0x3920];
	[tilespmem:s13+$0x10] =	vst v6  }
0x135: {  	s30 =	sadd.s32 $0x8, s30;
	v1 =	vld [tilespmem:s15+$0x3920];
	[tilespmem:s13+$0xF0] =	vst v7  }
0x136: {  	[tilespmem:s13+$0x50] =	vst v3  }
0x137: {  	v3 =	vld [tilespmem:s2+$0x3920];
	[tilespmem:s13+$0xFFFFFF10] =	vst v4  }
0x138: {  	v4 =	vld [tilespmem:s4+$0x3920]  }
0x139: {  	[tilespmem:s13+$0x90] =	vst v2;
	v2 =	vld [tilespmem:s23+$0x3920]  }
0x13a: {  	[tilespmem:s13+$0xFFFFFF60] =	vst v0;
	v0 =	vld [tilespmem:s16+$0x3920]  }
0x13b: {  	[tilespmem:s13+$0xFFFFFFA0] =	vst v1;
	v1 =	vld [tilespmem:s25+$0x3920]  }
0x13c: {  	[tilespmem:s13+$0xFFFFFFE0] =	vst v3;
	v3 =	vld [tilespmem:s15+$0x3930]  }
0x13d: {  	[tilespmem:s13+$0xFFFFFF20] =	vst v4;
	v4 =	vld [tilespmem:s14+$0x3930]  }
0x13e: {  	[tilespmem:s13+$0x20] =	vst v2;
	v5 =	vld [tilespmem:s4+$0x3930]  }
0x13f: {  	[tilespmem:s13+$0x60] =	vst v0;
	v0 =	vld [tilespmem:s2+$0x3930]  }
0x140: {  	[tilespmem:s13+$0xA0] =	vst v1;
	v1 =	vld [tilespmem:s23+$0x3930]  }
0x141: {  	v2 =	vld [tilespmem:s16+$0x3930];
	[tilespmem:s26+$0xFFFFFFB0] =	vst v3  }
0x142: {  	[tilespmem:s13+$0xFFFFFF70] =	vst v4;
	v4 =	vld [tilespmem:s25+$0x3930]  }
0x143: {  	[tilespmem:s13+$0xFFFFFF30] =	vst v5  }
0x144: {  	[tilespmem:s26+$0xFFFFFFF0] =	vst v0  }
0x145: {  	s12 =	sadd.s32 s10, s19;
	[tilespmem:s26+$0x30] =	vst v1  }
0x146: {  	s2 =	sshrl.u32 s12, $0x3;
	s4 =	sadd.s32 @!p1 $0x5, s21;
	[tilespmem:s26+$0x70] =	vst v2  }
0x147: {  	s12 =	simm.s32 $0x101C0;
	s2 =	sadd.s32 s6, s2;
	s11 =	smul.u32 @!p1 $0x3200, s4;
	[tilespmem:s26+$0xB0] =	vst v4  }
0x148: {  	[hbm4b:s2+s7] =	stream.linear.scatter [tilespmem:s12], [sflag:$0x6], $0x3200, $0x38;
	[tilespmem:$0x197C0] =	vst v63  }
0x149: {  	s2 =	sadd.s32 @!p1 s8, s11  }
0x14a: {  	s4 =	smul.u32 @!p1 $0xC8, s4;
	s2 =	sshrl.u32 @!p1 s2, $0x3  }
0x14b: {  	s11 =	simm.s32 @!p1 $0x0;
	s12 =	simm.s32 @!p1 $0x3900;
	s2 =	sadd.s32 @!p1 s1, s2  }
0x14c: {  	[tilespmem:s12], [sflag:$0x2] =	stream.linear.gather @!p1 [hbm4b:s2+s11], $0x3200, $0x38;
	[tilespmem:$0x197C0] =	vst v63  }
0x14d: {  	s2 =	sadd.s32 @!p1 s9, s4  }
0x14e: {  	s2 =	sshrl.u32 @!p1 s2, $0x3  }
0x14f: {  	s12 =	simm.s32 @!p1 $0xD8;
	s4 =	sadd.s32 @!p1 s3, s2  }
0x150: {  	[tilespmem:s12], [sflag:$0x2] =	stream.linear.gather @!p1 [hbm4b:s4+s11], $0xC8, $0x38;
	[tilespmem:$0x197C0] =	vst v63  }
0x151: {  	s2 =	sadd.s32 @!p1 s5, s2;
	s4 =	simm.s32 @!p1 $0x438  }
0x152: {  	[tilespmem:s4], [sflag:$0x2] =	stream.linear.gather @!p1 [hbm4b:s2+s11], $0xC8, $0x38;
	[tilespmem:$0x197C0] =	vst v63  }
0x153: {  	_ =	swait.ge [sflag:s0], $0x3200  }
0x154: {  	[sflag:s0] =	ssyncset.done $0x0  }
0x155: {  	[sflag:s0] =	ssyncadd.s32 $0xFFFFCE00  }
0x156: {  	_ =	swait.ge [sflag:s0], $0xC8  }
0x157: {  	[sflag:s0] =	ssyncset.done $0x0  }
0x158: {  	[sflag:s0] =	ssyncadd.s32 $0xFFFFFF38  }
0x159: {  	_ =	swait.ge [sflag:s0], $0xC8  }
0x15a: {  	[sflag:s0] =	ssyncset.done $0x0  }
0x15b: {  	s2 =	simm.s32 @!p0 $0x7;
	[sflag:s0] =	ssyncadd.s32 $0xFFFFFF38  }
0x15c: {  	_ =	swait.ge @!p0 [sflag:s2], $0x3200  }
0x15d: {  	[sflag:s2] =	ssyncset.done @!p0 $0x0  }
0x15e: {  	s13 =	simm.s32 $0x1B4;
	[sflag:s2] =	ssyncadd.s32 @!p0 $0xFFFFCE00  }
0x15f: {  	s12 =	simm.s32 $0x514;
	v0 =	vld [tilespmem:s13+$0x3]  }
0x160: {  	v1 =	vld [tilespmem:s12+$0x3]  }
0x161: {  	v2 =	vld [tilespmem:s12+$0xFFFFFFFC]  }
0x162: {  	v3 =	vld [tilespmem:s13+$0xFFFFFFFD]  }
0x163: {  	v4 =	vld [tilespmem:s12+$0xFFFFFFFD]  }
0x164: {  	v5 =	vld [tilespmem:s13+$0xFFFFFFFE];
	(v2sf) =	vpush v0, $0x0  }
0x165: {  	v0 =	vld [tilespmem:s12+$0xFFFFFFFE];
	(v2sf) =	vpush v1, $0x0  }
0x166: {  	v1 =	vld [tilespmem:s13+$0xFFFFFFFF];
	(v2sf) =	vpush v2, $0x0  }
0x167: {  	v2 =	vld [tilespmem:s12+$0xFFFFFFFF];
	(v2sf) =	vpush v3, $0x0  }
0x168: {  	v3 =	vld [tilespmem:s13+$0x0];
	(v2sf) =	vpush v4, $0x0  }
0x169: {  	v4 =	vld [tilespmem:s12+$0x0];
	(v2sf) =	vpush v5, $0x0  }
0x16a: {  	v5 =	vld [tilespmem:s13+$0x1];
	(v2sf) =	vpush v0, $0x0  }
0x16b: {  	v0 =	vld [tilespmem:s12+$0x1];
	(v2sf) =	vpush v1, $0x0  }
0x16c: {  	v1 =	vld [tilespmem:s13+$0x2];
	(v2sf) =	vpush v2, $0x0  }
0x16d: {  	v2 =	vld [tilespmem:s12+$0x2];
	(v2sf) =	vpush v3, $0x0  }
0x16e: {  	v3 =	vld [tilespmem:s13+$0xFFFFFFFC];
	(v2sf) =	vpush v4, $0x0  }
0x16f: {  	(v2sf) =	vpush v5, $0x0  }
0x170: {  	(v2sf) =	vpush v0, $0x0  }
0x171: {  	(v2sf) =	vpush v1, $0x0  }
0x172: {  	(v2sf) =	vpush v2, $0x0  }
0x173: {  	(v2sf) =	vpush v3, $0x0;
	s14 =	spop (v2sf)  }
0x174: {  	s15 =	spop (v2sf)  }
0x175: {  	s11 =	sshll.u32 s14, $0x6;
	p2 =	seq.s32 s15, $0x0;
	s4 =	spop (v2sf)  }
0x176: {  	s11 =	simm.s32 @p2 $0x3200;
	s16 =	spop (v2sf)  }
0x177: {  	v0 =	vld [tilespmem:s11+$0x6B40];
	s22 =	spop (v2sf)  }
0x178: {  	s13 =	simm.s32 $0x134C0;
	s23 =	spop (v2sf)  }
0x179: {  	s14 =	sshll.u32 s16, $0x6;
	p2 =	seq.s32 s22, $0x0;
	s25 =	spop (v2sf)  }
0x17a: {  	s14 =	simm.s32 @p2 $0x3200;
	s15 =	sshll.u32 s23, $0x6;
	s26 =	spop (v2sf)  }
0x17b: {  	v1 =	vld [tilespmem:s14+$0x6B40];
	p2 =	seq.s32 s25, $0x0;
	s2 =	sshll.u32 s26, $0x6;
	s22 =	spop (v2sf)  }
0x17c: {  	s15 =	simm.s32 @p2 $0x3200;
	p2 =	seq.s32 s22, $0x0;
	[tilespmem:s13+$0xC0] =	vst v0;
	s23 =	spop (v2sf)  }
0x17d: {  	s2 =	simm.s32 @p2 $0x3200;
	v0 =	vld [tilespmem:s11+$0x6B50];
	s22 =	spop (v2sf)  }
0x17e: {  	v2 =	vld [tilespmem:s15+$0x6B40];
	s23 =	sshll.u32 s23, $0x6;
	p2 =	seq.s32 s22, $0x0;
	s25 =	spop (v2sf)  }
0x17f: {  	v3 =	vld [tilespmem:s2+$0x6B40];
	s23 =	simm.s32 @p2 $0x3200;
	s26 =	spop (v2sf)  }
0x180: {  	[tilespmem:s13+$0xFFFFFF40] =	vst v1;
	s16 =	sshll.u32 s25, $0x6;
	v1 =	vld [tilespmem:s23+$0x6B40];
	p2 =	seq.s32 s26, $0x0;
	s25 =	spop (v2sf)  }
0x181: {  	v4 =	vld [tilespmem:s14+$0x6B50];
	s16 =	simm.s32 @p2 $0x3200;
	s26 =	spop (v2sf)  }
0x182: {  	s25 =	sshll.u32 s25, $0x6;
	v5 =	vld [tilespmem:s16+$0x6B40];
	p2 =	seq.s32 s26, $0x0;
	[tilespmem:s13+$0xD0] =	vst v0;
	s26 =	spop (v2sf)  }
0x183: {  	p3 =	seq.s32 s4, $0x0;
	[tilespmem:s13+$0xFFFFFF80] =	vst v2;
	s4 =	sshll.u32 s26, $0x6;
	s25 =	simm.s32 @p2 $0x3200;
	v0 =	vld [tilespmem:s11+$0x6B60]  }
0x184: {  	[tilespmem:s13+$0xFFFFFFC0] =	vst v3;
	s4 =	simm.s32 @p3 $0x3200;
	v2 =	vld [tilespmem:s25+$0x6B40]  }
0x185: {  	v3 =	vld [tilespmem:s4+$0x6B40];
	[tilespmem:s13+$0x0] =	vst v1  }
0x186: {  	v6 =	vld [tilespmem:s2+$0x6B50];
	[tilespmem:s13+$0xFFFFFF50] =	vst v4  }
0x187: {  	v1 =	vld [tilespmem:s15+$0x6B50];
	[tilespmem:s13+$0x40] =	vst v5  }
0x188: {  	v5 =	vld [tilespmem:s23+$0x6B50];
	[tilespmem:s13+$0xE0] =	vst v0  }
0x189: {  	[tilespmem:s13+$0x80] =	vst v2;
	v7 =	vld [tilespmem:s11+$0x6B70]  }
0x18a: {  	[tilespmem:s13+$0xFFFFFF00] =	vst v3;
	v3 =	vld [tilespmem:s16+$0x6B50]  }
0x18b: {  	[tilespmem:s13+$0xFFFFFFD0] =	vst v6;
	v4 =	vld [tilespmem:s4+$0x6B50]  }
0x18c: {  	[tilespmem:s13+$0xFFFFFF90] =	vst v1;
	v2 =	vld [tilespmem:s25+$0x6B50]  }
0x18d: {  	v0 =	vld [tilespmem:s14+$0x6B60];
	[tilespmem:s13+$0x10] =	vst v5  }
0x18e: {  	s28 =	simm.s32 $0x0;
	s30 =	simm.s32 $0x1BC;
	s26 =	simm.s32 $0x134C0;
	v1 =	vld [tilespmem:s15+$0x6B60];
	[tilespmem:s13+$0xF0] =	vst v7  }
.LBB2_7:
0x18f: {  	v5 =	vld [tilespmem:s30+$0x3];
	[tilespmem:s13+$0x50] =	vst v3;
	s12 =	sadd.s32 $0x8, s12  }
0x190: {  	s28 =	sadd.s32 $0x8, s28;
	v3 =	vld [tilespmem:s12+$0x3];
	[tilespmem:s13+$0xFFFFFF10] =	vst v4  }
0x191: {  	p2 =	slt.u32 s28, $0xC0;
	v4 =	vld [tilespmem:s12+$0xFFFFFFFC];
	[tilespmem:s13+$0x90] =	vst v2  }
0x192: {  	v2 =	vld [tilespmem:s30+$0xFFFFFFFD];
	[tilespmem:s13+$0xFFFFFF60] =	vst v0  }
0x193: {  	v0 =	vld [tilespmem:s12+$0xFFFFFFFD];
	[tilespmem:s13+$0xFFFFFFA0] =	vst v1  }
0x194: {  	v1 =	vld [tilespmem:s30+$0xFFFFFFFE];
	(v2sf) =	vpush v5, $0x0  }
0x195: {  	v5 =	vld [tilespmem:s12+$0xFFFFFFFE];
	(v2sf) =	vpush v3, $0x0  }
0x196: {  	v3 =	vld [tilespmem:s30+$0xFFFFFFFF];
	(v2sf) =	vpush v4, $0x0  }
0x197: {  	v4 =	vld [tilespmem:s12+$0xFFFFFFFF];
	(v2sf) =	vpush v2, $0x0  }
0x198: {  	v2 =	vld [tilespmem:s30+$0x0];
	(v2sf) =	vpush v0, $0x0  }
0x199: {  	v0 =	vld [tilespmem:s12+$0x0];
	(v2sf) =	vpush v1, $0x0  }
0x19a: {  	v1 =	vld [tilespmem:s30+$0x1];
	(v2sf) =	vpush v5, $0x0  }
0x19b: {  	v5 =	vld [tilespmem:s12+$0x1];
	(v2sf) =	vpush v3, $0x0  }
0x19c: {  	v3 =	vld [tilespmem:s30+$0x2];
	(v2sf) =	vpush v4, $0x0  }
0x19d: {  	v4 =	vld [tilespmem:s12+$0x2];
	(v2sf) =	vpush v2, $0x0  }
0x19e: {  	v2 =	vld [tilespmem:s30+$0xFFFFFFFC];
	(v2sf) =	vpush v0, $0x0  }
0x19f: {  	(v2sf) =	vpush v1, $0x0;
	v0 =	vld [tilespmem:s4+$0x6B60]  }
0x1a0: {  	(v2sf) =	vpush v5, $0x0;
	v1 =	vld [tilespmem:s2+$0x6B60]  }
0x1a1: {  	(v2sf) =	vpush v3, $0x0;
	v3 =	vld [tilespmem:s23+$0x6B60]  }
0x1a2: {  	(v2sf) =	vpush v4, $0x0;
	v4 =	vld [tilespmem:s16+$0x6B60]  }
0x1a3: {  	(v2sf) =	vpush v2, $0x0;
	s11 =	spop (v2sf);
	v2 =	vld [tilespmem:s25+$0x6B60]  }
0x1a4: {  	s22 =	spop (v2sf);
	[tilespmem:s13+$0xFFFFFF20] =	vst v0;
	v0 =	vld [tilespmem:s14+$0x6B70]  }
0x1a5: {  	p4 =	seq.s32 s22, $0x0;
	s22 =	sshll.u32 s11, $0x6;
	s11 =	spop (v2sf);
	v5 =	vld [tilespmem:s4+$0x6B70];
	[tilespmem:s13+$0xFFFFFFE0] =	vst v1  }
0x1a6: {  	p3 =	seq.s32 s11, $0x0;
	s22 =	simm.s32 @p4 $0x3200;
	s4 =	spop (v2sf);
	v1 =	vld [tilespmem:s15+$0x6B70];
	[tilespmem:s13+$0x20] =	vst v3  }
0x1a7: {  	s14 =	sshll.u32 s4, $0x6;
	v3 =	vld [tilespmem:s22+$0x6B40];
	s4 =	spop (v2sf);
	[tilespmem:s13+$0x60] =	vst v4  }
0x1a8: {  	p4 =	seq.s32 s4, $0x0;
	s4 =	spop (v2sf);
	v4 =	vld [tilespmem:s2+$0x6B70];
	[tilespmem:s13+$0xA0] =	vst v2  }
0x1a9: {  	s14 =	simm.s32 @p4 $0x3200;
	s15 =	sshll.u32 s4, $0x6;
	s2 =	spop (v2sf);
	[tilespmem:s13+$0xFFFFFF70] =	vst v0;
	v0 =	vld [tilespmem:s23+$0x6B70]  }
0x1aa: {  	v2 =	vld [tilespmem:s14+$0x6B40];
	p4 =	seq.s32 s2, $0x0;
	s2 =	spop (v2sf);
	[tilespmem:s13+$0xFFFFFF30] =	vst v5  }
0x1ab: {  	s13 =	sadd.s32 $0x200, s13;
	s2 =	sshll.u32 s2, $0x6;
	s4 =	spop (v2sf);
	[tilespmem:s26+$0xFFFFFFB0] =	vst v1;
	v1 =	vld [tilespmem:s16+$0x6B70]  }
0x1ac: {  	s15 =	simm.s32 @p4 $0x3200;
	p4 =	seq.s32 s4, $0x0;
	[tilespmem:s13+$0xC0] =	vst v3;
	s4 =	spop (v2sf);
	v3 =	vld [tilespmem:s25+$0x6B70]  }
0x1ad: {  	s2 =	simm.s32 @p4 $0x3200;
	s23 =	sshll.u32 s4, $0x6;
	v5 =	vld [tilespmem:s22+$0x6B50];
	s4 =	spop (v2sf);
	[tilespmem:s26+$0xFFFFFFF0] =	vst v4  }
0x1ae: {  	v4 =	vld [tilespmem:s15+$0x6B40];
	p4 =	seq.s32 s4, $0x0;
	s4 =	spop (v2sf);
	[tilespmem:s26+$0x30] =	vst v0  }
0x1af: {  	[tilespmem:s13+$0xFFFFFF40] =	vst v2;
	v0 =	vld [tilespmem:s2+$0x6B40];
	s23 =	simm.s32 @p4 $0x3200;
	s16 =	sshll.u32 s4, $0x6;
	s4 =	spop (v2sf)  }
0x1b0: {  	v2 =	vld [tilespmem:s23+$0x6B40];
	p4 =	seq.s32 s4, $0x0;
	s4 =	spop (v2sf);
	[tilespmem:s26+$0x70] =	vst v1  }
0x1b1: {  	v1 =	vld [tilespmem:s14+$0x6B50];
	s16 =	simm.s32 @p4 $0x3200;
	s25 =	sshll.u32 s4, $0x6;
	s4 =	spop (v2sf);
	[tilespmem:s26+$0xB0] =	vst v3  }
0x1b2: {  	s26 =	smov.u32 s13;
	v3 =	vld [tilespmem:s16+$0x6B40];
	p4 =	seq.s32 s4, $0x0;
	[tilespmem:s13+$0xD0] =	vst v5;
	s4 =	spop (v2sf)  }
0x1b3: {  	s4 =	sshll.u32 s4, $0x6;
	[tilespmem:s13+$0xFFFFFF80] =	vst v4;
	s25 =	simm.s32 @p4 $0x3200;
	v4 =	vld [tilespmem:s22+$0x6B60]  }
0x1b4: {  	s4 =	simm.s32 @p3 $0x3200;
	[tilespmem:s13+$0xFFFFFFC0] =	vst v0;
	v0 =	vld [tilespmem:s25+$0x6B40]  }
0x1b5: {  	v5 =	vld [tilespmem:s4+$0x6B40];
	[tilespmem:s13+$0x0] =	vst v2  }
0x1b6: {  	[tilespmem:s13+$0xFFFFFF50] =	vst v1;
	v1 =	vld [tilespmem:s15+$0x6B50]  }
0x1b7: {  	v2 =	vld [tilespmem:s2+$0x6B50];
	[tilespmem:s13+$0x40] =	vst v3  }
0x1b8: {  	v6 =	vld [tilespmem:s23+$0x6B50];
	[tilespmem:s13+$0xE0] =	vst v4  }
0x1b9: {  	[tilespmem:s13+$0x80] =	vst v0;
	v7 =	vld [tilespmem:s22+$0x6B70]  }
.Ltmp2:
0x1ba: {  	[tilespmem:s13+$0xFFFFFF00] =	vst v5;
	v3 =	vld [tilespmem:s16+$0x6B50];
	(pc) =	sbr.rel @p2 .LBB2_7-.Ltmp2, $4  }
0x1bb: {  	v4 =	vld [tilespmem:s4+$0x6B50];
	[tilespmem:s13+$0xFFFFFF90] =	vst v1  }
0x1bc: {  	[tilespmem:s13+$0xFFFFFFD0] =	vst v2;
	v2 =	vld [tilespmem:s25+$0x6B50]  }
0x1bd: {  	v0 =	vld [tilespmem:s14+$0x6B60];
	[tilespmem:s13+$0x10] =	vst v6  }
0x1be: {  	s30 =	sadd.s32 $0x8, s30;
	v1 =	vld [tilespmem:s15+$0x6B60];
	[tilespmem:s13+$0xF0] =	vst v7  }
0x1bf: {  	[tilespmem:s13+$0x50] =	vst v3  }
0x1c0: {  	v3 =	vld [tilespmem:s2+$0x6B60];
	[tilespmem:s13+$0xFFFFFF10] =	vst v4  }
0x1c1: {  	v4 =	vld [tilespmem:s4+$0x6B60]  }
0x1c2: {  	[tilespmem:s13+$0x90] =	vst v2;
	v2 =	vld [tilespmem:s23+$0x6B60]  }
0x1c3: {  	[tilespmem:s13+$0xFFFFFF60] =	vst v0;
	v0 =	vld [tilespmem:s16+$0x6B60]  }
0x1c4: {  	[tilespmem:s13+$0xFFFFFFA0] =	vst v1;
	v1 =	vld [tilespmem:s25+$0x6B60]  }
0x1c5: {  	[tilespmem:s13+$0xFFFFFFE0] =	vst v3;
	v3 =	vld [tilespmem:s15+$0x6B70]  }
0x1c6: {  	[tilespmem:s13+$0xFFFFFF20] =	vst v4;
	v4 =	vld [tilespmem:s14+$0x6B70]  }
0x1c7: {  	[tilespmem:s13+$0x20] =	vst v2;
	v5 =	vld [tilespmem:s4+$0x6B70]  }
0x1c8: {  	[tilespmem:s13+$0x60] =	vst v0;
	v0 =	vld [tilespmem:s2+$0x6B70]  }
0x1c9: {  	[tilespmem:s13+$0xA0] =	vst v1;
	v1 =	vld [tilespmem:s23+$0x6B70]  }
0x1ca: {  	v2 =	vld [tilespmem:s16+$0x6B70];
	[tilespmem:s26+$0xFFFFFFB0] =	vst v3  }
0x1cb: {  	[tilespmem:s13+$0xFFFFFF70] =	vst v4;
	v4 =	vld [tilespmem:s25+$0x6B70]  }
0x1cc: {  	[tilespmem:s13+$0xFFFFFF30] =	vst v5  }
0x1cd: {  	[tilespmem:s26+$0xFFFFFFF0] =	vst v0  }
0x1ce: {  	s16 =	sadd.s32 s10, s20;
	[tilespmem:s26+$0x30] =	vst v1  }
0x1cf: {  	s4 =	sadd.s32 @!p1 $0x6, s21;
	s2 =	sshrl.u32 s16, $0x3;
	[tilespmem:s26+$0x70] =	vst v2  }
0x1d0: {  	s11 =	simm.s32 $0x133C0;
	s10 =	smul.u32 @!p1 $0x3200, s4;
	s2 =	sadd.s32 s6, s2;
	[tilespmem:s26+$0xB0] =	vst v4  }
0x1d1: {  	[hbm4b:s2+s7] =	stream.linear.scatter [tilespmem:s11], [sflag:$0x7], $0x3200, $0x38;
	[tilespmem:$0x197C0] =	vst v63  }
0x1d2: {  	s2 =	sadd.s32 @!p1 s8, s10  }
0x1d3: {  	s4 =	smul.u32 @!p1 $0xC8, s4;
	s2 =	sshrl.u32 @!p1 s2, $0x3  }
0x1d4: {  	s10 =	simm.s32 @!p1 $0x0;
	s11 =	simm.s32 @!p1 $0x6B40;
	s2 =	sadd.s32 @!p1 s1, s2  }
0x1d5: {  	[tilespmem:s11], [sflag:$0x3] =	stream.linear.gather @!p1 [hbm4b:s2+s10], $0x3200, $0x38;
	[tilespmem:$0x197C0] =	vst v63  }
0x1d6: {  	s2 =	sadd.s32 @!p1 s9, s4  }
0x1d7: {  	s2 =	sshrl.u32 @!p1 s2, $0x3  }
0x1d8: {  	s11 =	simm.s32 @!p1 $0x1B0;
	s4 =	sadd.s32 @!p1 s3, s2  }
0x1d9: {  	[tilespmem:s11], [sflag:$0x3] =	stream.linear.gather @!p1 [hbm4b:s4+s10], $0xC8, $0x38;
	[tilespmem:$0x197C0] =	vst v63  }
0x1da: {  	s2 =	sadd.s32 @!p1 s5, s2;
	s4 =	simm.s32 @!p1 $0x510  }
0x1db: {  	[tilespmem:s4], [sflag:$0x3] =	stream.linear.gather @!p1 [hbm4b:s2+s10], $0xC8, $0x38;
	[tilespmem:$0x197C0] =	vst v63  }
0x1dc: {  	_ =	swait.ge [sflag:s24], $0x3200  }
0x1dd: {  	[sflag:s24] =	ssyncset.done $0x0  }
0x1de: {  	[sflag:s24] =	ssyncadd.s32 $0xFFFFCE00  }
0x1df: {  	_ =	swait.ge [sflag:s24], $0xC8  }
0x1e0: {  	[sflag:s24] =	ssyncset.done $0x0  }
0x1e1: {  	[sflag:s24] =	ssyncadd.s32 $0xFFFFFF38  }
0x1e2: {  	_ =	swait.ge [sflag:s24], $0xC8  }
0x1e3: {  	[sflag:s24] =	ssyncset.done $0x0  }
0x1e4: {  	s2 =	simm.s32 @!p0 $0x8;
	[sflag:s24] =	ssyncadd.s32 $0xFFFFFF38  }
0x1e5: {  	_ =	swait.ge @!p0 [sflag:s2], $0x3200  }
0x1e6: {  	[sflag:s2] =	ssyncset.done @!p0 $0x0  }
0x1e7: {  	s21 =	simm.s32 $0x28C;
	[sflag:s2] =	ssyncadd.s32 @!p0 $0xFFFFCE00  }
0x1e8: {  	s10 =	simm.s32 $0x5EC;
	v0 =	vld [tilespmem:s21+$0x3]  }
0x1e9: {  	v1 =	vld [tilespmem:s10+$0x3]  }
0x1ea: {  	v2 =	vld [tilespmem:s10+$0xFFFFFFFC]  }
0x1eb: {  	v3 =	vld [tilespmem:s21+$0xFFFFFFFD]  }
0x1ec: {  	v4 =	vld [tilespmem:s10+$0xFFFFFFFD]  }
0x1ed: {  	v5 =	vld [tilespmem:s21+$0xFFFFFFFE];
	(v2sf) =	vpush v0, $0x0  }
0x1ee: {  	v0 =	vld [tilespmem:s10+$0xFFFFFFFE];
	(v2sf) =	vpush v1, $0x0  }
0x1ef: {  	v1 =	vld [tilespmem:s21+$0xFFFFFFFF];
	(v2sf) =	vpush v2, $0x0  }
0x1f0: {  	v2 =	vld [tilespmem:s10+$0xFFFFFFFF];
	(v2sf) =	vpush v3, $0x0  }
0x1f1: {  	v3 =	vld [tilespmem:s21+$0x0];
	(v2sf) =	vpush v4, $0x0  }
0x1f2: {  	v4 =	vld [tilespmem:s10+$0x0];
	(v2sf) =	vpush v5, $0x0  }
0x1f3: {  	v5 =	vld [tilespmem:s21+$0x1];
	(v2sf) =	vpush v0, $0x0  }
0x1f4: {  	v0 =	vld [tilespmem:s10+$0x1];
	(v2sf) =	vpush v1, $0x0  }
0x1f5: {  	v1 =	vld [tilespmem:s21+$0x2];
	(v2sf) =	vpush v2, $0x0  }
0x1f6: {  	v2 =	vld [tilespmem:s10+$0x2];
	(v2sf) =	vpush v3, $0x0  }
0x1f7: {  	v3 =	vld [tilespmem:s21+$0xFFFFFFFC];
	(v2sf) =	vpush v4, $0x0  }
0x1f8: {  	(v2sf) =	vpush v5, $0x0  }
0x1f9: {  	(v2sf) =	vpush v0, $0x0  }
0x1fa: {  	(v2sf) =	vpush v1, $0x0  }
0x1fb: {  	(v2sf) =	vpush v2, $0x0  }
0x1fc: {  	(v2sf) =	vpush v3, $0x0;
	s22 =	spop (v2sf)  }
0x1fd: {  	s23 =	spop (v2sf)  }
0x1fe: {  	s11 =	sshll.u32 s22, $0x6;
	p0 =	seq.s32 s23, $0x0;
	s4 =	spop (v2sf)  }
0x1ff: {  	s11 =	simm.s32 @p0 $0x3200;
	s25 =	spop (v2sf)  }
0x200: {  	v0 =	vld [tilespmem:s11+$0x9D80];
	s26 =	spop (v2sf)  }
0x201: {  	s12 =	simm.s32 $0x166C0;
	s28 =	spop (v2sf)  }
0x202: {  	s13 =	sshll.u32 s25, $0x6;
	p0 =	seq.s32 s26, $0x0;
	s30 =	spop (v2sf)  }
0x203: {  	s13 =	simm.s32 @p0 $0x3200;
	s14 =	sshll.u32 s28, $0x6;
	s16 =	spop (v2sf)  }
0x204: {  	v1 =	vld [tilespmem:s13+$0x9D80];
	p0 =	seq.s32 s30, $0x0;
	s2 =	sshll.u32 s16, $0x6;
	s21 =	spop (v2sf)  }
0x205: {  	s14 =	simm.s32 @p0 $0x3200;
	p0 =	seq.s32 s21, $0x0;
	[tilespmem:s12+$0xC0] =	vst v0;
	s22 =	spop (v2sf)  }
0x206: {  	s2 =	simm.s32 @p0 $0x3200;
	v0 =	vld [tilespmem:s11+$0x9D90];
	s23 =	spop (v2sf)  }
0x207: {  	v2 =	vld [tilespmem:s14+$0x9D80];
	s15 =	sshll.u32 s22, $0x6;
	p0 =	seq.s32 s23, $0x0;
	s25 =	spop (v2sf)  }
0x208: {  	v3 =	vld [tilespmem:s2+$0x9D80];
	s15 =	simm.s32 @p0 $0x3200;
	s26 =	spop (v2sf)  }
0x209: {  	[tilespmem:s12+$0xFFFFFF40] =	vst v1;
	s16 =	sshll.u32 s25, $0x6;
	v1 =	vld [tilespmem:s15+$0x9D80];
	p0 =	seq.s32 s26, $0x0;
	s28 =	spop (v2sf)  }
0x20a: {  	v4 =	vld [tilespmem:s13+$0x9D90];
	s16 =	simm.s32 @p0 $0x3200;
	s22 =	spop (v2sf)  }
0x20b: {  	s21 =	sshll.u32 s28, $0x6;
	v5 =	vld [tilespmem:s16+$0x9D80];
	p0 =	seq.s32 s22, $0x0;
	[tilespmem:s12+$0xD0] =	vst v0;
	s30 =	spop (v2sf)  }
0x20c: {  	p1 =	seq.s32 s4, $0x0;
	[tilespmem:s12+$0xFFFFFF80] =	vst v2;
	s4 =	sshll.u32 s30, $0x6;
	s21 =	simm.s32 @p0 $0x3200;
	v0 =	vld [tilespmem:s11+$0x9DA0]  }
0x20d: {  	[tilespmem:s12+$0xFFFFFFC0] =	vst v3;
	s4 =	simm.s32 @p1 $0x3200;
	v2 =	vld [tilespmem:s21+$0x9D80]  }
0x20e: {  	v3 =	vld [tilespmem:s4+$0x9D80];
	[tilespmem:s12+$0x0] =	vst v1  }
0x20f: {  	v6 =	vld [tilespmem:s2+$0x9D90];
	[tilespmem:s12+$0xFFFFFF50] =	vst v4  }
0x210: {  	v1 =	vld [tilespmem:s14+$0x9D90];
	[tilespmem:s12+$0x40] =	vst v5  }
0x211: {  	v5 =	vld [tilespmem:s15+$0x9D90];
	[tilespmem:s12+$0xE0] =	vst v0  }
0x212: {  	[tilespmem:s12+$0x80] =	vst v2;
	v7 =	vld [tilespmem:s11+$0x9DB0]  }
0x213: {  	[tilespmem:s12+$0xFFFFFF00] =	vst v3;
	v3 =	vld [tilespmem:s16+$0x9D90]  }
0x214: {  	[tilespmem:s12+$0xFFFFFFD0] =	vst v6;
	v4 =	vld [tilespmem:s4+$0x9D90]  }
0x215: {  	[tilespmem:s12+$0xFFFFFF90] =	vst v1;
	v2 =	vld [tilespmem:s21+$0x9D90]  }
0x216: {  	v0 =	vld [tilespmem:s13+$0x9DA0];
	[tilespmem:s12+$0x10] =	vst v5  }
0x217: {  	s23 =	simm.s32 $0x166C0;
	s25 =	simm.s32 $0x0;
	s26 =	simm.s32 $0x294;
	v1 =	vld [tilespmem:s14+$0x9DA0];
	[tilespmem:s12+$0xF0] =	vst v7  }
.LBB2_9:
0x218: {  	v5 =	vld [tilespmem:s26+$0x3];
	[tilespmem:s12+$0x50] =	vst v3;
	s10 =	sadd.s32 $0x8, s10  }
0x219: {  	s25 =	sadd.s32 $0x8, s25;
	v3 =	vld [tilespmem:s10+$0x3];
	[tilespmem:s12+$0xFFFFFF10] =	vst v4  }
0x21a: {  	p0 =	slt.u32 s25, $0xC0;
	v4 =	vld [tilespmem:s10+$0xFFFFFFFC];
	[tilespmem:s12+$0x90] =	vst v2  }
0x21b: {  	v2 =	vld [tilespmem:s26+$0xFFFFFFFD];
	[tilespmem:s12+$0xFFFFFF60] =	vst v0  }
0x21c: {  	v0 =	vld [tilespmem:s10+$0xFFFFFFFD];
	[tilespmem:s12+$0xFFFFFFA0] =	vst v1  }
0x21d: {  	v1 =	vld [tilespmem:s26+$0xFFFFFFFE];
	(v2sf) =	vpush v5, $0x0  }
0x21e: {  	v5 =	vld [tilespmem:s10+$0xFFFFFFFE];
	(v2sf) =	vpush v3, $0x0  }
0x21f: {  	v3 =	vld [tilespmem:s26+$0xFFFFFFFF];
	(v2sf) =	vpush v4, $0x0  }
0x220: {  	v4 =	vld [tilespmem:s10+$0xFFFFFFFF];
	(v2sf) =	vpush v2, $0x0  }
0x221: {  	v2 =	vld [tilespmem:s26+$0x0];
	(v2sf) =	vpush v0, $0x0  }
0x222: {  	v0 =	vld [tilespmem:s10+$0x0];
	(v2sf) =	vpush v1, $0x0  }
0x223: {  	v1 =	vld [tilespmem:s26+$0x1];
	(v2sf) =	vpush v5, $0x0  }
0x224: {  	v5 =	vld [tilespmem:s10+$0x1];
	(v2sf) =	vpush v3, $0x0  }
0x225: {  	v3 =	vld [tilespmem:s26+$0x2];
	(v2sf) =	vpush v4, $0x0  }
0x226: {  	v4 =	vld [tilespmem:s10+$0x2];
	(v2sf) =	vpush v2, $0x0  }
0x227: {  	v2 =	vld [tilespmem:s26+$0xFFFFFFFC];
	(v2sf) =	vpush v0, $0x0  }
0x228: {  	(v2sf) =	vpush v1, $0x0;
	v0 =	vld [tilespmem:s4+$0x9DA0]  }
0x229: {  	(v2sf) =	vpush v5, $0x0;
	v1 =	vld [tilespmem:s2+$0x9DA0]  }
0x22a: {  	(v2sf) =	vpush v3, $0x0;
	v3 =	vld [tilespmem:s15+$0x9DA0]  }
0x22b: {  	(v2sf) =	vpush v4, $0x0;
	v4 =	vld [tilespmem:s16+$0x9DA0]  }
0x22c: {  	(v2sf) =	vpush v2, $0x0;
	s11 =	spop (v2sf);
	v2 =	vld [tilespmem:s21+$0x9DA0]  }
0x22d: {  	s22 =	spop (v2sf);
	[tilespmem:s12+$0xFFFFFF20] =	vst v0;
	v0 =	vld [tilespmem:s13+$0x9DB0]  }
0x22e: {  	p2 =	seq.s32 s22, $0x0;
	s22 =	sshll.u32 s11, $0x6;
	s11 =	spop (v2sf);
	v5 =	vld [tilespmem:s4+$0x9DB0];
	[tilespmem:s12+$0xFFFFFFE0] =	vst v1  }
0x22f: {  	p1 =	seq.s32 s11, $0x0;
	s22 =	simm.s32 @p2 $0x3200;
	s4 =	spop (v2sf);
	v1 =	vld [tilespmem:s14+$0x9DB0];
	[tilespmem:s12+$0x20] =	vst v3  }
0x230: {  	s13 =	sshll.u32 s4, $0x6;
	v3 =	vld [tilespmem:s22+$0x9D80];
	s4 =	spop (v2sf);
	[tilespmem:s12+$0x60] =	vst v4  }
0x231: {  	p2 =	seq.s32 s4, $0x0;
	s4 =	spop (v2sf);
	v4 =	vld [tilespmem:s2+$0x9DB0];
	[tilespmem:s12+$0xA0] =	vst v2  }
0x232: {  	s13 =	simm.s32 @p2 $0x3200;
	s14 =	sshll.u32 s4, $0x6;
	s2 =	spop (v2sf);
	[tilespmem:s12+$0xFFFFFF70] =	vst v0;
	v0 =	vld [tilespmem:s15+$0x9DB0]  }
0x233: {  	v2 =	vld [tilespmem:s13+$0x9D80];
	p2 =	seq.s32 s2, $0x0;
	s2 =	spop (v2sf);
	[tilespmem:s12+$0xFFFFFF30] =	vst v5  }
0x234: {  	s12 =	sadd.s32 $0x200, s12;
	s2 =	sshll.u32 s2, $0x6;
	s4 =	spop (v2sf);
	[tilespmem:s23+$0xFFFFFFB0] =	vst v1;
	v1 =	vld [tilespmem:s16+$0x9DB0]  }
0x235: {  	s14 =	simm.s32 @p2 $0x3200;
	p2 =	seq.s32 s4, $0x0;
	[tilespmem:s12+$0xC0] =	vst v3;
	s4 =	spop (v2sf);
	v3 =	vld [tilespmem:s21+$0x9DB0]  }
0x236: {  	s2 =	simm.s32 @p2 $0x3200;
	s15 =	sshll.u32 s4, $0x6;
	v5 =	vld [tilespmem:s22+$0x9D90];
	s4 =	spop (v2sf);
	[tilespmem:s23+$0xFFFFFFF0] =	vst v4  }
0x237: {  	v4 =	vld [tilespmem:s14+$0x9D80];
	p2 =	seq.s32 s4, $0x0;
	s4 =	spop (v2sf);
	[tilespmem:s23+$0x30] =	vst v0  }
0x238: {  	[tilespmem:s12+$0xFFFFFF40] =	vst v2;
	v0 =	vld [tilespmem:s2+$0x9D80];
	s15 =	simm.s32 @p2 $0x3200;
	s16 =	sshll.u32 s4, $0x6;
	s4 =	spop (v2sf)  }
0x239: {  	v2 =	vld [tilespmem:s15+$0x9D80];
	p2 =	seq.s32 s4, $0x0;
	s4 =	spop (v2sf);
	[tilespmem:s23+$0x70] =	vst v1  }
0x23a: {  	v1 =	vld [tilespmem:s13+$0x9D90];
	s16 =	simm.s32 @p2 $0x3200;
	s21 =	sshll.u32 s4, $0x6;
	s4 =	spop (v2sf);
	[tilespmem:s23+$0xB0] =	vst v3  }
0x23b: {  	s23 =	smov.u32 s12;
	v3 =	vld [tilespmem:s16+$0x9D80];
	p2 =	seq.s32 s4, $0x0;
	[tilespmem:s12+$0xD0] =	vst v5;
	s4 =	spop (v2sf)  }
0x23c: {  	s4 =	sshll.u32 s4, $0x6;
	[tilespmem:s12+$0xFFFFFF80] =	vst v4;
	s21 =	simm.s32 @p2 $0x3200;
	v4 =	vld [tilespmem:s22+$0x9DA0]  }
0x23d: {  	s4 =	simm.s32 @p1 $0x3200;
	[tilespmem:s12+$0xFFFFFFC0] =	vst v0;
	v0 =	vld [tilespmem:s21+$0x9D80]  }
0x23e: {  	v5 =	vld [tilespmem:s4+$0x9D80];
	[tilespmem:s12+$0x0] =	vst v2  }
0x23f: {  	[tilespmem:s12+$0xFFFFFF50] =	vst v1;
	v1 =	vld [tilespmem:s14+$0x9D90]  }
0x240: {  	v2 =	vld [tilespmem:s2+$0x9D90];
	[tilespmem:s12+$0x40] =	vst v3  }
0x241: {  	v6 =	vld [tilespmem:s15+$0x9D90];
	[tilespmem:s12+$0xE0] =	vst v4  }
0x242: {  	[tilespmem:s12+$0x80] =	vst v0;
	v7 =	vld [tilespmem:s22+$0x9DB0]  }
.Ltmp3:
0x243: {  	[tilespmem:s12+$0xFFFFFF00] =	vst v5;
	v3 =	vld [tilespmem:s16+$0x9D90];
	(pc) =	sbr.rel @p0 .LBB2_9-.Ltmp3, $4  }
0x244: {  	v4 =	vld [tilespmem:s4+$0x9D90];
	[tilespmem:s12+$0xFFFFFF90] =	vst v1  }
0x245: {  	[tilespmem:s12+$0xFFFFFFD0] =	vst v2;
	v2 =	vld [tilespmem:s21+$0x9D90]  }
0x246: {  	v0 =	vld [tilespmem:s13+$0x9DA0];
	[tilespmem:s12+$0x10] =	vst v6  }
0x247: {  	s26 =	sadd.s32 $0x8, s26;
	v1 =	vld [tilespmem:s14+$0x9DA0];
	[tilespmem:s12+$0xF0] =	vst v7  }
0x248: {  	[tilespmem:s12+$0x50] =	vst v3;
	v54 =	vld [tilespmem:s2+$0x9DA0]  }
0x249: {  	v55 =	vld [tilespmem:s15+$0x9DA0];
	[tilespmem:s12+$0xFFFFFF10] =	vst v4  }
0x24a: {  	v56 =	vld [tilespmem:s16+$0x9DA0];
	[tilespmem:s12+$0x90] =	vst v2  }
0x24b: {  	v4 =	vld [tilespmem:s4+$0x9DA0];
	[tilespmem:s12+$0xFFFFFF60] =	vst v0  }
0x24c: {  	v57 =	vld [tilespmem:s21+$0x9DA0];
	[tilespmem:s12+$0xFFFFFFA0] =	vst v1  }
0x24d: {  	v58 =	vld [tilespmem:s13+$0x9DB0];
	[tilespmem:s12+$0xFFFFFFE0] =	vst v54  }
0x24e: {  	v59 =	vld [tilespmem:s14+$0x9DB0];
	[tilespmem:s12+$0x20] =	vst v55  }
0x24f: {  	[tilespmem:s12+$0x60] =	vst v56;
	v60 =	vld [tilespmem:s2+$0x9DB0]  }
0x250: {  	v61 =	vld [tilespmem:s15+$0x9DB0];
	[tilespmem:s12+$0xFFFFFF20] =	vst v4  }
0x251: {  	v62 =	vld [tilespmem:s16+$0x9DB0];
	[tilespmem:s12+$0xA0] =	vst v57  }
0x252: {  	v5 =	vld [tilespmem:s4+$0x9DB0];
	[tilespmem:s12+$0xFFFFFF70] =	vst v58  }
0x253: {  	s17 =	sadd.s32 $0x1, s17;
	v63 =	vld [tilespmem:s21+$0x9DB0];
	[tilespmem:s23+$0xFFFFFFB0] =	vst v59  }
0x254: {  	p0 =	sne.s32 s17, $0x20;
	[tilespmem:s23+$0xFFFFFFF0] =	vst v60  }
.Ltmp4:
0x255: {  	[tilespmem:s23+$0x30] =	vst v61;
	(pc) =	sbr.rel @p0 .LBB2_2-.Ltmp4, $4  }
0x256: {  	[tilespmem:s23+$0x70] =	vst v62  }
0x257: {  	[tilespmem:s12+$0xFFFFFF30] =	vst v5  }
0x258: {  	s28 =	sadd.s32 s6, s18;
	s30 =	simm.s32 $0x165C0;
	[tilespmem:s23+$0xB0] =	vst v63  }
0x259: {  	[hbm4b:s28+s7] =	stream.linear.scatter [tilespmem:s30], [sflag:$0x8], $0x3200, $0x38;
	[tilespmem:$0x197C0] =	vst v63  }
0x25a: {  	s2 =	simm.s32 $0x5  }
0x25b: {  	_ =	swait.ge [sflag:s2], $0x3200  }
0x25c: {  	[sflag:s2] =	ssyncset.done $0x0  }
0x25d: {  	s26 =	simm.s32 $0x6;
	[sflag:s2] =	ssyncadd.s32 $0xFFFFCE00  }
0x25e: {  	_ =	swait.ge [sflag:s26], $0x3200  }
0x25f: {  	[sflag:s26] =	ssyncset.done $0x0  }
0x260: {  	s28 =	simm.s32 $0x7;
	[sflag:s26] =	ssyncadd.s32 $0xFFFFCE00  }
0x261: {  	_ =	swait.ge [sflag:s28], $0x3200  }
0x262: {  	[sflag:s28] =	ssyncset.done $0x0  }
0x263: {  	s4 =	simm.s32 $0x8;
	[sflag:s28] =	ssyncadd.s32 $0xFFFFCE00  }
0x264: {  	_ =	swait.ge [sflag:s4], $0x3200  }
0x265: {  	s10 =	rddreg [dreg:$0x10]  }
0x266: {  	s30 =	rddreg [dreg:$0xf];
	s10 =	sadd.s32 $0x1, s10  }
0x267: {  	p0 =	sne.s32 s10, s30  }
.Ltmp5:
0x268: {  	_ = 	snop;
	(pc) =	sbr.rel @p0 .LBB2_1-.Ltmp5, $3  }
0x269: {  	_ =	sdelay $0x1  }
0x26a: {  	[sflag:s4] =	ssyncset.done $0x0  }
0x26b: {  	[sflag:s4] =	ssyncadd.s32 $0xFFFFCE00  }
0x26c: {  	_ =	sfence.sel $0x180000  }
0x26d: {  	[bflag:$0x0] =	sbarrier.arrive $0xFFFF  }
0x26e: {  	_ =	strace $0x90000047  }
0x26f: {  	s0 =	stileid.u32;
	[bflag:$0x2] =	sbarrier.arrive $0xFFFF  }
0x270: {  	p0 =	sne.s32 s0, $0x0;
	s0 =	rddreg [dreg:$0x5]  }
0x271: {  	s0 =	sadd.s32 @!p0 $0x100000, s0  }
0x272: {  	[sflag:s0] =	ssyncadd.tile.s32 @!p0 $0x1;
	_ =	shalt  }
.Lfunc_end2:
_tile_overlayer_lowered:
.L_overlay_start_2:
0x273: {  	(tag) =	ssettag $0x2  }
0x274: {  	s0 =	rddreg [dreg:$0x0];
	s2 =	stileid.u32  }
0x275: {  	s1 =	rddreg [dreg:$0x1];
	p0 =	sne.s32 s2, $0x0  }
0x276: {  	s3 =	rddreg [dreg:$0x2];
	[bflag:$0x3] =	sbarrier.arrive $0xFFFF;
	s2 =	simm.s32 @!p0 $0x1C09  }
0x277: {  	[timem:s3], [sflag:s2] =	dma.local @!p0 [hbm:s0], s1  }
0x278: {  	s0 =	simm.s32 @!p0 $0x9  }
0x279: {  	_ =	swait.ge @!p0 [sflag:s0], s1  }
0x27a: {  	s1 =	ssub.s32 @!p0 $0x0, s1;
	[sflag:s0] =	ssyncset.done @!p0 $0x0  }
0x27b: {  	[sflag:s0] =	ssyncadd.s32 @!p0 s1  }
0x27c: {  	[bflag:$0x3] =	sbarrier.arrive $0xFFFF  }
0x27d: {  	_ =	shalt  }

</sc_bundles>
